<compile_context>
chip_gen: v7x
topology: tpu7x:2x2x1
jax: 0.10.2.dev20260603
libtpu: 0.0.44.dev20260713+nightly
codegen_flags: <defaults>
</compile_context>

<pallas_src>
import functools

import jax
import jax.numpy as jnp
from jax import lax
from jax.experimental import pallas as pl
from jax.experimental.pallas import tpu as pltpu
from jax.experimental.pallas import tpu_sc as plsc

_DEPTH = 4
_NB_SPLIT = 15
_NB_NODES = 31
_SPLIT_PAD = 16
_REP = 8

_NC = 2
_NS = 16
_NW = _NC * _NS
_L = 16


def _mm_body(x_ref, a_ref, o_ref):
    o_ref[...] = lax.dot_general(
        x_ref[...], a_ref[...],
        dimension_numbers=(((1,), (1,)), ((), ())),
        preferred_element_type=jnp.float32)


def _matmul_tc(x, a_big, rb, row0, nrows):
    n, d = x.shape
    b0 = row0 // rb
    return pl.pallas_call(
        _mm_body,
        grid=(nrows // rb,),
        in_specs=[
            pl.BlockSpec((rb, d), lambda i: (i + b0, 0)),
            pl.BlockSpec((_REP * _SPLIT_PAD, d), lambda i: (0, 0)),
        ],
        out_specs=pl.BlockSpec((rb, _REP * _SPLIT_PAD), lambda i: (i, 0)),
        out_shape=jax.ShapeDtypeStruct((nrows, _REP * _SPLIT_PAD),
                                       jnp.float32),
    )(x, a_big)


def _tree_groups(xa_v, out_v, ngroups):
    iota = lax.iota(jnp.int32, _L)
    ones = jnp.full((_L,), 1.0, jnp.float32)
    zeros = jnp.full((_L,), 0.0, jnp.float32)

    def group_body(g, carry):
        rows = g * _L + iota
        rows_in = rows * (_REP * _SPLIT_PAD)
        rows_out = rows * _NB_NODES
        a = [plsc.load_gather(xa_v, [rows_in + i]) for i in range(_NB_SPLIT)]
        m = [None] * _NB_NODES
        m[0] = ones
        for i in range(_NB_SPLIT):
            m[2 * i + 1] = jnp.minimum(m[i], a[i])
            m[2 * i + 2] = jnp.minimum(m[i], -a[i])
        plsc.store_scatter(out_v, [rows_out], ones)
        for node in range(1, _NB_NODES):
            plsc.store_scatter(out_v, [rows_out + node],
                               jnp.maximum(m[node], zeros))
        return carry

    lax.fori_loop(0, ngroups, group_body, 0)


def _make_tree_sc(n, cr):
    nchunk = n // cr
    gpc = cr // _L
    mesh = plsc.VectorSubcoreMesh(core_axis_name="c", subcore_axis_name="s")

    @functools.partial(
        pl.kernel,
        mesh=mesh,
        compiler_params=pltpu.CompilerParams(needs_layout_passes=False),
        out_type=jax.ShapeDtypeStruct((nchunk, cr * _NB_NODES), jnp.float32),
        scratch_types=[
            pltpu.VMEM((cr * _REP * _SPLIT_PAD,), jnp.float32),
            pltpu.VMEM((cr * _NB_NODES,), jnp.float32),
        ],
    )
    def tree_sc(xa_hbm, out_hbm, xa_v, out_v):
        wid = lax.axis_index("s") * _NC + lax.axis_index("c")
        nk = (nchunk - wid + _NW - 1) // _NW

        def chunk_body(k, carry):
            c = wid + k * _NW
            base = c * cr
            pltpu.sync_copy(
                xa_hbm.at[pl.ds(base * _REP * _SPLIT_PAD,
                                cr * _REP * _SPLIT_PAD)], xa_v)
            _tree_groups(xa_v, out_v, gpc)
            pltpu.sync_copy(out_v, out_hbm.at[c])
            return carry

        lax.fori_loop(0, nk, chunk_body, 0)

    return tree_sc


def kernel(x, A):
    n, d = x.shape
    a_pad = jnp.concatenate(
        [A, jnp.zeros((_SPLIT_PAD - _NB_SPLIT, d), A.dtype)], axis=0)
    a_big = jnp.tile(a_pad, (_REP, 1))
    nh = n // 2
    tree = _make_tree_sc(nh, cr=400)
    halves = []
    for h in range(2):
        xa = _matmul_tc(x, a_big, rb=10000, row0=h * nh, nrows=nh)
        halves.append(tree(xa.reshape(-1)).reshape(nh, _NB_NODES))
    return jnp.concatenate(halves, axis=0)

# --- scband reference (transcript-rebuilt; emitter-appended) ---
"""Pipeline reference for scband-latent-tree-34969623724736 (READ-ONLY COPY).

The authoritative reference and input builder live on the scoring server;
editing this copy changes nothing except your own understanding.
"""

import jax, jax.numpy as jnp
import numpy as np

BST_DEPTH = 4
DIM = 128
N = 100000

def _bst(depth):
    nb_nodes = 2 ** (depth + 1) - 1
    nb_split = 2 ** depth - 1
    split = np.arange(nb_split)
    desc_left = 2 * split + 1
    desc_right = 2 * split + 2
    return nb_nodes, nb_split, split, desc_left, desc_right

def setup_inputs(seed: int = 0) -> dict:
    key = jax.random.key(seed)
    k1, k2 = jax.random.split(key)
    nb_nodes, nb_split, _, _, _ = _bst(BST_DEPTH)
    x = jax.random.normal(k1, (N, DIM), dtype=jnp.float32)
    A = jax.random.uniform(k2, (nb_split, DIM), dtype=jnp.float32)
    return {"x": x, "A": A}

def reference(x, A):
    nb_nodes, nb_split, split, dl, dr = _bst(BST_DEPTH)
    XA = jnp.dot(x, A.T)  # [N, nb_split]; XA[:, split] == XA since split = arange(nb_split)
    q = jnp.ones((x.shape[0], nb_nodes), dtype=x.dtype)
    # q[:, desc_left] = min(q[:, split], XA[:, split])
    q = q.at[:, dl].set(jnp.minimum(q[:, split], XA[:, split]))
    # q[:, desc_right] = min(q[:, split], -XA[:, split])  (reads q AFTER the desc_left write, matching torch in-place semantics)
    q = q.at[:, dr].set(jnp.minimum(q[:, split], -XA[:, split]))
    for _ in range(BST_DEPTH):
        q = q.at[:, dl].set(jnp.minimum(q[:, dl], q[:, split]))
        q = q.at[:, dr].set(jnp.minimum(q[:, dr], q[:, split]))
    # pruned=False branch: z = clamp(q, 0, 1)
    z = jnp.clip(q, 0.0, 1.0)
    return z

if __name__ == "__main__":
    import jax
    _d = setup_inputs()
    print(jax.jit(kernel)(*tuple(_d.values())))

</pallas_src>

<mosaic_0001>
#map = affine_map<(d0, d1) -> (0)>
#map1 = affine_map<(d0, d1) -> (0, 0)>
module attributes {stable_mosaic.version = 14 : i64} {
  func.func @tree_sc(%arg0: i32, %arg1: i32, %arg2: memref<6400000xf32, #tpu.memory_space<hbm>>, %arg3: memref<125x12400xf32, #tpu.memory_space<hbm>>, %arg4: memref<51200xf32, #tpu.memory_space<vmem>>, %arg5: memref<12400xf32, #tpu.memory_space<vmem>>) attributes {dimension_semantics = [#tpu.dimension_semantics<core_parallel>, #tpu.dimension_semantics<subcore_parallel>], iteration_bounds = array<i64: 2, 16>, scalar_prefetch = 0 : i64, scratch_operands = 2 : i64, tpu.core_type = #tpu.core_type<sc_vector_subcore>, window_params = [{transform_indices = #map}, {transform_indices = #map1}]} {
    %mul3A = arith.constant 2 : i32
    %mul3A_0 = arith.muli %arg1, %mul3A : i32
    %add3A = arith.addi %mul3A_0, %arg0 : i32
    %sub3A = arith.constant 125 : i32
    %sub3A_1 = arith.subi %sub3A, %add3A : i32
    %add3A_2 = arith.constant 32 : i32
    %add3A_3 = arith.addi %sub3A_1, %add3A_2 : i32
    %sub3A_4 = arith.constant 1 : i32
    %sub3A_5 = arith.subi %add3A_3, %sub3A_4 : i32
    %jit3A = arith.constant 32 : i32
    %div3A = arith.divsi %sub3A_5, %jit3A : i32
    %sign3A = arith.constant 0 : i32
    %sign3A_6 = arith.cmpi sgt, %sub3A_5, %sign3A : i32
    %sign3A_7 = arith.extui %sign3A_6 : i1 to i32
    %sign3A_8 = arith.constant 0 : i32
    %sign3A_9 = arith.cmpi slt, %sub3A_5, %sign3A_8 : i32
    %sign3A_10 = arith.extui %sign3A_9 : i1 to i32
    %sign3A_11 = arith.subi %sign3A_7, %sign3A_10 : i32
    %sign3A_12 = arith.constant 0 : i32
    %sign3A_13 = arith.cmpi sgt, %jit3A, %sign3A_12 : i32
    %sign3A_14 = arith.extui %sign3A_13 : i1 to i32
    %sign3A_15 = arith.constant 0 : i32
    %sign3A_16 = arith.cmpi slt, %jit3A, %sign3A_15 : i32
    %sign3A_17 = arith.extui %sign3A_16 : i1 to i32
    %sign3A_18 = arith.subi %sign3A_14, %sign3A_17 : i32
    %ne3A = arith.cmpi ne, %sign3A_11, %sign3A_18 : i32
    %rem3A = arith.remsi %sub3A_5, %jit3A : i32
    %ne3A_19 = arith.constant 0 : i32
    %ne3A_20 = arith.cmpi ne, %rem3A, %ne3A_19 : i32
    %and3A = arith.andi %ne3A, %ne3A_20 : i1
    %sub3A_21 = arith.constant 1 : i32
    %sub3A_22 = arith.subi %div3A, %sub3A_21 : i32
    %select_n3A = arith.select %and3A, %sub3A_22, %div3A : i32
    %while3A = arith.constant 0 : i32
    %while3A_23 = arith.constant 0 : i32
    %while3A_24 = arith.subi %select_n3A, %while3A_23 : i32
    %while3A_25 = arith.addi %while3A_23, %while3A_24 : i32
    %while3A_26 = arith.constant 1 : i32
    %while3A_27 = arith.divsi %while3A_24, %while3A_26 : i32
    %while3A_28 = arith.muli %while3A_27, %while3A_26 : i32
    %while3A_29 = arith.addi %while3A_23, %while3A_28 : i32
    %while3A_30 = arith.constant 1 : i32
    scf.for %while3A_32 = %while3A_23 to %while3A_29 step %while3A_30  : i32 {
      %mul3A_33 = arith.constant 32 : i32
      %mul3A_34 = arith.muli %while3A_32, %mul3A_33 : i32
      %add3A_35 = arith.addi %add3A, %mul3A_34 : i32
      %mul3A_36 = arith.constant 400 : i32
      %mul3A_37 = arith.muli %add3A_35, %mul3A_36 : i32
      %mul3A_38 = arith.constant 8 : i32
      %mul3A_39 = arith.muli %mul3A_37, %mul3A_38 : i32
      %mul3A_40 = arith.constant 16 : i32
      %mul3A_41 = arith.muli %mul3A_39, %mul3A_40 : i32
      "tpu.region"() ({
        %run_scoped3A = tpu.sem_alloc : memref<!tpu.dma_semaphore, #tpu.memory_space<semaphore_mem>>
        %dma_start3A = tpu.memref_slice %arg2[%mul3A_41] : memref<6400000xf32, #tpu.memory_space<hbm>> -> memref<51200xf32, #tpu.memory_space<hbm>>
        %dma_start3A_50 = tpu.memref_slice %arg2[%mul3A_41] : memref<6400000xf32, #tpu.memory_space<hbm>> -> memref<51200xf32, #tpu.memory_space<hbm>>
        tpu.enqueue_dma source(%dma_start3A_50 : memref<51200xf32, #tpu.memory_space<hbm>>) target(%arg4 : memref<51200xf32, #tpu.memory_space<vmem>>) target_semaphore(%run_scoped3A : memref<!tpu.dma_semaphore, #tpu.memory_space<semaphore_mem>>)
        %dma_wait3A = tpu.memref_slice %arg2[%mul3A_41] : memref<6400000xf32, #tpu.memory_space<hbm>> -> memref<51200xf32, #tpu.memory_space<hbm>>
        %dma_wait3A_51 = tpu.memref_slice %arg2[%mul3A_41] : memref<6400000xf32, #tpu.memory_space<hbm>> -> memref<51200xf32, #tpu.memory_space<hbm>>
        tpu.wait_dma2 semaphore(%run_scoped3A : memref<!tpu.dma_semaphore, #tpu.memory_space<semaphore_mem>>) src(%dma_wait3A_51 : memref<51200xf32, #tpu.memory_space<hbm>>) dst(%arg4 : memref<51200xf32, #tpu.memory_space<vmem>>)
        tpu.yield
      }) : () -> ()
      %iota3A = tpu.iota {dimensions = array<i32: 0>} : vector<16xi32>
      %broadcast_in_dim3A = arith.constant 1.000000e+00 : f32
      %broadcast_in_dim3A_42 = vector.broadcast %broadcast_in_dim3A : f32 to vector<16xf32>
      %broadcast_in_dim3A_43 = arith.constant 0.000000e+00 : f32
      %broadcast_in_dim3A_44 = vector.broadcast %broadcast_in_dim3A_43 : f32 to vector<16xf32>
      %scan3A = arith.constant 0 : i32
      %scan3A_45 = arith.constant 0 : i32
      %scan3A_46 = arith.constant 25 : i32
      %scan3A_47 = arith.addi %scan3A_45, %scan3A_46 : i32
      %scan3A_48 = arith.constant 1 : i32
      scf.for %scan3A_50 = %scan3A_45 to %scan3A_47 step %scan3A_48  : i32 {
        %mul3A_51 = arith.constant 16 : i32
        %mul3A_52 = arith.muli %scan3A_50, %mul3A_51 : i32
        %add3A_53 = vector.broadcast %mul3A_52 : i32 to vector<16xi32>
        %add3A_54 = arith.addi %add3A_53, %iota3A : vector<16xi32>
        %mul3A_55 = arith.constant 128 : i32
        %mul3A_56 = vector.broadcast %mul3A_55 : i32 to vector<16xi32>
        %mul3A_57 = arith.muli %add3A_54, %mul3A_56 : vector<16xi32>
        %mul3A_58 = arith.constant 31 : i32
        %mul3A_59 = vector.broadcast %mul3A_58 : i32 to vector<16xi32>
        %mul3A_60 = arith.muli %add3A_54, %mul3A_59 : vector<16xi32>
        %add3A_61 = arith.constant 0 : i32
        %add3A_62 = vector.broadcast %add3A_61 : i32 to vector<16xi32>
        %add3A_63 = arith.addi %mul3A_57, %add3A_62 : vector<16xi32>
        %gather3A = tpu.vector_load_idx %arg4[%add3A_63] : memref<51200xf32, #tpu.memory_space<vmem>>[vector<16xi32>], vector<16xf32>,
        %add3A_64 = arith.constant 1 : i32
        %add3A_65 = vector.broadcast %add3A_64 : i32 to vector<16xi32>
        %add3A_66 = arith.addi %mul3A_57, %add3A_65 : vector<16xi32>
        %gather3A_67 = tpu.vector_load_idx %arg4[%add3A_66] : memref<51200xf32, #tpu.memory_space<vmem>>[vector<16xi32>], vector<16xf32>,
        %add3A_68 = arith.constant 2 : i32
        %add3A_69 = vector.broadcast %add3A_68 : i32 to vector<16xi32>
        %add3A_70 = arith.addi %mul3A_57, %add3A_69 : vector<16xi32>
        %gather3A_71 = tpu.vector_load_idx %arg4[%add3A_70] : memref<51200xf32, #tpu.memory_space<vmem>>[vector<16xi32>], vector<16xf32>,
        %add3A_72 = arith.constant 3 : i32
        %add3A_73 = vector.broadcast %add3A_72 : i32 to vector<16xi32>
        %add3A_74 = arith.addi %mul3A_57, %add3A_73 : vector<16xi32>
        %gather3A_75 = tpu.vector_load_idx %arg4[%add3A_74] : memref<51200xf32, #tpu.memory_space<vmem>>[vector<16xi32>], vector<16xf32>,
        %add3A_76 = arith.constant 4 : i32
        %add3A_77 = vector.broadcast %add3A_76 : i32 to vector<16xi32>
        %add3A_78 = arith.addi %mul3A_57, %add3A_77 : vector<16xi32>
        %gather3A_79 = tpu.vector_load_idx %arg4[%add3A_78] : memref<51200xf32, #tpu.memory_space<vmem>>[vector<16xi32>], vector<16xf32>,
        %add3A_80 = arith.constant 5 : i32
        %add3A_81 = vector.broadcast %add3A_80 : i32 to vector<16xi32>
        %add3A_82 = arith.addi %mul3A_57, %add3A_81 : vector<16xi32>
        %gather3A_83 = tpu.vector_load_idx %arg4[%add3A_82] : memref<51200xf32, #tpu.memory_space<vmem>>[vector<16xi32>], vector<16xf32>,
        %add3A_84 = arith.constant 6 : i32
        %add3A_85 = vector.broadcast %add3A_84 : i32 to vector<16xi32>
        %add3A_86 = arith.addi %mul3A_57, %add3A_85 : vector<16xi32>
        %gather3A_87 = tpu.vector_load_idx %arg4[%add3A_86] : memref<51200xf32, #tpu.memory_space<vmem>>[vector<16xi32>], vector<16xf32>,
        %add3A_88 = arith.constant 7 : i32
        %add3A_89 = vector.broadcast %add3A_88 : i32 to vector<16xi32>
        %add3A_90 = arith.addi %mul3A_57, %add3A_89 : vector<16xi32>
        %gather3A_91 = tpu.vector_load_idx %arg4[%add3A_90] : memref<51200xf32, #tpu.memory_space<vmem>>[vector<16xi32>], vector<16xf32>,
        %add3A_92 = arith.constant 8 : i32
        %add3A_93 = vector.broadcast %add3A_92 : i32 to vector<16xi32>
        %add3A_94 = arith.addi %mul3A_57, %add3A_93 : vector<16xi32>
        %gather3A_95 = tpu.vector_load_idx %arg4[%add3A_94] : memref<51200xf32, #tpu.memory_space<vmem>>[vector<16xi32>], vector<16xf32>,
        %add3A_96 = arith.constant 9 : i32
        %add3A_97 = vector.broadcast %add3A_96 : i32 to vector<16xi32>
        %add3A_98 = arith.addi %mul3A_57, %add3A_97 : vector<16xi32>
        %gather3A_99 = tpu.vector_load_idx %arg4[%add3A_98] : memref<51200xf32, #tpu.memory_space<vmem>>[vector<16xi32>], vector<16xf32>,
        %add3A_100 = arith.constant 10 : i32
        %add3A_101 = vector.broadcast %add3A_100 : i32 to vector<16xi32>
        %add3A_102 = arith.addi %mul3A_57, %add3A_101 : vector<16xi32>
        %gather3A_103 = tpu.vector_load_idx %arg4[%add3A_102] : memref<51200xf32, #tpu.memory_space<vmem>>[vector<16xi32>], vector<16xf32>,
        %add3A_104 = arith.constant 11 : i32
        %add3A_105 = vector.broadcast %add3A_104 : i32 to vector<16xi32>
        %add3A_106 = arith.addi %mul3A_57, %add3A_105 : vector<16xi32>
        %gather3A_107 = tpu.vector_load_idx %arg4[%add3A_106] : memref<51200xf32, #tpu.memory_space<vmem>>[vector<16xi32>], vector<16xf32>,
        %add3A_108 = arith.constant 12 : i32
        %add3A_109 = vector.broadcast %add3A_108 : i32 to vector<16xi32>
        %add3A_110 = arith.addi %mul3A_57, %add3A_109 : vector<16xi32>
        %gather3A_111 = tpu.vector_load_idx %arg4[%add3A_110] : memref<51200xf32, #tpu.memory_space<vmem>>[vector<16xi32>], vector<16xf32>,
        %add3A_112 = arith.constant 13 : i32
        %add3A_113 = vector.broadcast %add3A_112 : i32 to vector<16xi32>
        %add3A_114 = arith.addi %mul3A_57, %add3A_113 : vector<16xi32>
        %gather3A_115 = tpu.vector_load_idx %arg4[%add3A_114] : memref<51200xf32, #tpu.memory_space<vmem>>[vector<16xi32>], vector<16xf32>,
        %add3A_116 = arith.constant 14 : i32
        %add3A_117 = vector.broadcast %add3A_116 : i32 to vector<16xi32>
        %add3A_118 = arith.addi %mul3A_57, %add3A_117 : vector<16xi32>
        %gather3A_119 = tpu.vector_load_idx %arg4[%add3A_118] : memref<51200xf32, #tpu.memory_space<vmem>>[vector<16xi32>], vector<16xf32>,
        %min3A = arith.minimumf %broadcast_in_dim3A_42, %gather3A : vector<16xf32>
        %neg3A = arith.constant 0.000000e+00 : f32
        %neg3A_120 = vector.broadcast %neg3A : f32 to vector<16xf32>
        %neg3A_121 = arith.subf %neg3A_120, %gather3A : vector<16xf32>
        %min3A_122 = arith.minimumf %broadcast_in_dim3A_42, %neg3A_121 : vector<16xf32>
        %min3A_123 = arith.minimumf %min3A, %gather3A_67 : vector<16xf32>
        %neg3A_124 = arith.constant 0.000000e+00 : f32
        %neg3A_125 = vector.broadcast %neg3A_124 : f32 to vector<16xf32>
        %neg3A_126 = arith.subf %neg3A_125, %gather3A_67 : vector<16xf32>
        %min3A_127 = arith.minimumf %min3A, %neg3A_126 : vector<16xf32>
        %min3A_128 = arith.minimumf %min3A_122, %gather3A_71 : vector<16xf32>
        %neg3A_129 = arith.constant 0.000000e+00 : f32
        %neg3A_130 = vector.broadcast %neg3A_129 : f32 to vector<16xf32>
        %neg3A_131 = arith.subf %neg3A_130, %gather3A_71 : vector<16xf32>
        %min3A_132 = arith.minimumf %min3A_122, %neg3A_131 : vector<16xf32>
        %min3A_133 = arith.minimumf %min3A_123, %gather3A_75 : vector<16xf32>
        %neg3A_134 = arith.constant 0.000000e+00 : f32
        %neg3A_135 = vector.broadcast %neg3A_134 : f32 to vector<16xf32>
        %neg3A_136 = arith.subf %neg3A_135, %gather3A_75 : vector<16xf32>
        %min3A_137 = arith.minimumf %min3A_123, %neg3A_136 : vector<16xf32>
        %min3A_138 = arith.minimumf %min3A_127, %gather3A_79 : vector<16xf32>
        %neg3A_139 = arith.constant 0.000000e+00 : f32
        %neg3A_140 = vector.broadcast %neg3A_139 : f32 to vector<16xf32>
        %neg3A_141 = arith.subf %neg3A_140, %gather3A_79 : vector<16xf32>
        %min3A_142 = arith.minimumf %min3A_127, %neg3A_141 : vector<16xf32>
        %min3A_143 = arith.minimumf %min3A_128, %gather3A_83 : vector<16xf32>
        %neg3A_144 = arith.constant 0.000000e+00 : f32
        %neg3A_145 = vector.broadcast %neg3A_144 : f32 to vector<16xf32>
        %neg3A_146 = arith.subf %neg3A_145, %gather3A_83 : vector<16xf32>
        %min3A_147 = arith.minimumf %min3A_128, %neg3A_146 : vector<16xf32>
        %min3A_148 = arith.minimumf %min3A_132, %gather3A_87 : vector<16xf32>
        %neg3A_149 = arith.constant 0.000000e+00 : f32
        %neg3A_150 = vector.broadcast %neg3A_149 : f32 to vector<16xf32>
        %neg3A_151 = arith.subf %neg3A_150, %gather3A_87 : vector<16xf32>
        %min3A_152 = arith.minimumf %min3A_132, %neg3A_151 : vector<16xf32>
        %min3A_153 = arith.minimumf %min3A_133, %gather3A_91 : vector<16xf32>
        %neg3A_154 = arith.constant 0.000000e+00 : f32
        %neg3A_155 = vector.broadcast %neg3A_154 : f32 to vector<16xf32>
        %neg3A_156 = arith.subf %neg3A_155, %gather3A_91 : vector<16xf32>
        %min3A_157 = arith.minimumf %min3A_133, %neg3A_156 : vector<16xf32>
        %min3A_158 = arith.minimumf %min3A_137, %gather3A_95 : vector<16xf32>
        %neg3A_159 = arith.constant 0.000000e+00 : f32
        %neg3A_160 = vector.broadcast %neg3A_159 : f32 to vector<16xf32>
        %neg3A_161 = arith.subf %neg3A_160, %gather3A_95 : vector<16xf32>
        %min3A_162 = arith.minimumf %min3A_137, %neg3A_161 : vector<16xf32>
        %min3A_163 = arith.minimumf %min3A_138, %gather3A_99 : vector<16xf32>
        %neg3A_164 = arith.constant 0.000000e+00 : f32
        %neg3A_165 = vector.broadcast %neg3A_164 : f32 to vector<16xf32>
        %neg3A_166 = arith.subf %neg3A_165, %gather3A_99 : vector<16xf32>
        %min3A_167 = arith.minimumf %min3A_138, %neg3A_166 : vector<16xf32>
        %min3A_168 = arith.minimumf %min3A_142, %gather3A_103 : vector<16xf32>
        %neg3A_169 = arith.constant 0.000000e+00 : f32
        %neg3A_170 = vector.broadcast %neg3A_169 : f32 to vector<16xf32>
        %neg3A_171 = arith.subf %neg3A_170, %gather3A_103 : vector<16xf32>
        %min3A_172 = arith.minimumf %min3A_142, %neg3A_171 : vector<16xf32>
        %min3A_173 = arith.minimumf %min3A_143, %gather3A_107 : vector<16xf32>
        %neg3A_174 = arith.constant 0.000000e+00 : f32
        %neg3A_175 = vector.broadcast %neg3A_174 : f32 to vector<16xf32>
        %neg3A_176 = arith.subf %neg3A_175, %gather3A_107 : vector<16xf32>
        %min3A_177 = arith.minimumf %min3A_143, %neg3A_176 : vector<16xf32>
        %min3A_178 = arith.minimumf %min3A_147, %gather3A_111 : vector<16xf32>
        %neg3A_179 = arith.constant 0.000000e+00 : f32
        %neg3A_180 = vector.broadcast %neg3A_179 : f32 to vector<16xf32>
        %neg3A_181 = arith.subf %neg3A_180, %gather3A_111 : vector<16xf32>
        %min3A_182 = arith.minimumf %min3A_147, %neg3A_181 : vector<16xf32>
        %min3A_183 = arith.minimumf %min3A_148, %gather3A_115 : vector<16xf32>
        %neg3A_184 = arith.constant 0.000000e+00 : f32
        %neg3A_185 = vector.broadcast %neg3A_184 : f32 to vector<16xf32>
        %neg3A_186 = arith.subf %neg3A_185, %gather3A_115 : vector<16xf32>
        %min3A_187 = arith.minimumf %min3A_148, %neg3A_186 : vector<16xf32>
        %min3A_188 = arith.minimumf %min3A_152, %gather3A_119 : vector<16xf32>
        %neg3A_189 = arith.constant 0.000000e+00 : f32
        %neg3A_190 = vector.broadcast %neg3A_189 : f32 to vector<16xf32>
        %neg3A_191 = arith.subf %neg3A_190, %gather3A_119 : vector<16xf32>
        %min3A_192 = arith.minimumf %min3A_152, %neg3A_191 : vector<16xf32>
        tpu.vector_store_idx %arg5[%mul3A_60], %broadcast_in_dim3A_42 : memref<12400xf32, #tpu.memory_space<vmem>>[vector<16xi32>], vector<16xf32>,
        %add3A_193 = arith.constant 1 : i32
        %add3A_194 = vector.broadcast %add3A_193 : i32 to vector<16xi32>
        %add3A_195 = arith.addi %mul3A_60, %add3A_194 : vector<16xi32>
        %max3A = arith.maximumf %min3A, %broadcast_in_dim3A_44 : vector<16xf32>
        tpu.vector_store_idx %arg5[%add3A_195], %max3A : memref<12400xf32, #tpu.memory_space<vmem>>[vector<16xi32>], vector<16xf32>,
        %add3A_196 = arith.constant 2 : i32
        %add3A_197 = vector.broadcast %add3A_196 : i32 to vector<16xi32>
        %add3A_198 = arith.addi %mul3A_60, %add3A_197 : vector<16xi32>
        %max3A_199 = arith.maximumf %min3A_122, %broadcast_in_dim3A_44 : vector<16xf32>
        tpu.vector_store_idx %arg5[%add3A_198], %max3A_199 : memref<12400xf32, #tpu.memory_space<vmem>>[vector<16xi32>], vector<16xf32>,
        %add3A_200 = arith.constant 3 : i32
        %add3A_201 = vector.broadcast %add3A_200 : i32 to vector<16xi32>
        %add3A_202 = arith.addi %mul3A_60, %add3A_201 : vector<16xi32>
        %max3A_203 = arith.maximumf %min3A_123, %broadcast_in_dim3A_44 : vector<16xf32>
        tpu.vector_store_idx %arg5[%add3A_202], %max3A_203 : memref<12400xf32, #tpu.memory_space<vmem>>[vector<16xi32>], vector<16xf32>,
        %add3A_204 = arith.constant 4 : i32
        %add3A_205 = vector.broadcast %add3A_204 : i32 to vector<16xi32>
        %add3A_206 = arith.addi %mul3A_60, %add3A_205 : vector<16xi32>
        %max3A_207 = arith.maximumf %min3A_127, %broadcast_in_dim3A_44 : vector<16xf32>
        tpu.vector_store_idx %arg5[%add3A_206], %max3A_207 : memref<12400xf32, #tpu.memory_space<vmem>>[vector<16xi32>], vector<16xf32>,
        %add3A_208 = arith.constant 5 : i32
        %add3A_209 = vector.broadcast %add3A_208 : i32 to vector<16xi32>
        %add3A_210 = arith.addi %mul3A_60, %add3A_209 : vector<16xi32>
        %max3A_211 = arith.maximumf %min3A_128, %broadcast_in_dim3A_44 : vector<16xf32>
        tpu.vector_store_idx %arg5[%add3A_210], %max3A_211 : memref<12400xf32, #tpu.memory_space<vmem>>[vector<16xi32>], vector<16xf32>,
        %add3A_212 = arith.constant 6 : i32
        %add3A_213 = vector.broadcast %add3A_212 : i32 to vector<16xi32>
        %add3A_214 = arith.addi %mul3A_60, %add3A_213 : vector<16xi32>
        %max3A_215 = arith.maximumf %min3A_132, %broadcast_in_dim3A_44 : vector<16xf32>
        tpu.vector_store_idx %arg5[%add3A_214], %max3A_215 : memref<12400xf32, #tpu.memory_space<vmem>>[vector<16xi32>], vector<16xf32>,
        %add3A_216 = arith.constant 7 : i32
        %add3A_217 = vector.broadcast %add3A_216 : i32 to vector<16xi32>
        %add3A_218 = arith.addi %mul3A_60, %add3A_217 : vector<16xi32>
        %max3A_219 = arith.maximumf %min3A_133, %broadcast_in_dim3A_44 : vector<16xf32>
        tpu.vector_store_idx %arg5[%add3A_218], %max3A_219 : memref<12400xf32, #tpu.memory_space<vmem>>[vector<16xi32>], vector<16xf32>,
        %add3A_220 = arith.constant 8 : i32
        %add3A_221 = vector.broadcast %add3A_220 : i32 to vector<16xi32>
        %add3A_222 = arith.addi %mul3A_60, %add3A_221 : vector<16xi32>
        %max3A_223 = arith.maximumf %min3A_137, %broadcast_in_dim3A_44 : vector<16xf32>
        tpu.vector_store_idx %arg5[%add3A_222], %max3A_223 : memref<12400xf32, #tpu.memory_space<vmem>>[vector<16xi32>], vector<16xf32>,
        %add3A_224 = arith.constant 9 : i32
        %add3A_225 = vector.broadcast %add3A_224 : i32 to vector<16xi32>
        %add3A_226 = arith.addi %mul3A_60, %add3A_225 : vector<16xi32>
        %max3A_227 = arith.maximumf %min3A_138, %broadcast_in_dim3A_44 : vector<16xf32>
        tpu.vector_store_idx %arg5[%add3A_226], %max3A_227 : memref<12400xf32, #tpu.memory_space<vmem>>[vector<16xi32>], vector<16xf32>,
        %add3A_228 = arith.constant 10 : i32
        %add3A_229 = vector.broadcast %add3A_228 : i32 to vector<16xi32>
        %add3A_230 = arith.addi %mul3A_60, %add3A_229 : vector<16xi32>
        %max3A_231 = arith.maximumf %min3A_142, %broadcast_in_dim3A_44 : vector<16xf32>
        tpu.vector_store_idx %arg5[%add3A_230], %max3A_231 : memref<12400xf32, #tpu.memory_space<vmem>>[vector<16xi32>], vector<16xf32>,
        %add3A_232 = arith.constant 11 : i32
        %add3A_233 = vector.broadcast %add3A_232 : i32 to vector<16xi32>
        %add3A_234 = arith.addi %mul3A_60, %add3A_233 : vector<16xi32>
        %max3A_235 = arith.maximumf %min3A_143, %broadcast_in_dim3A_44 : vector<16xf32>
        tpu.vector_store_idx %arg5[%add3A_234], %max3A_235 : memref<12400xf32, #tpu.memory_space<vmem>>[vector<16xi32>], vector<16xf32>,
        %add3A_236 = arith.constant 12 : i32
        %add3A_237 = vector.broadcast %add3A_236 : i32 to vector<16xi32>
        %add3A_238 = arith.addi %mul3A_60, %add3A_237 : vector<16xi32>
        %max3A_239 = arith.maximumf %min3A_147, %broadcast_in_dim3A_44 : vector<16xf32>
        tpu.vector_store_idx %arg5[%add3A_238], %max3A_239 : memref<12400xf32, #tpu.memory_space<vmem>>[vector<16xi32>], vector<16xf32>,
        %add3A_240 = arith.constant 13 : i32
        %add3A_241 = vector.broadcast %add3A_240 : i32 to vector<16xi32>
        %add3A_242 = arith.addi %mul3A_60, %add3A_241 : vector<16xi32>
        %max3A_243 = arith.maximumf %min3A_148, %broadcast_in_dim3A_44 : vector<16xf32>
        tpu.vector_store_idx %arg5[%add3A_242], %max3A_243 : memref<12400xf32, #tpu.memory_space<vmem>>[vector<16xi32>], vector<16xf32>,
        %add3A_244 = arith.constant 14 : i32
        %add3A_245 = vector.broadcast %add3A_244 : i32 to vector<16xi32>
        %add3A_246 = arith.addi %mul3A_60, %add3A_245 : vector<16xi32>
        %max3A_247 = arith.maximumf %min3A_152, %broadcast_in_dim3A_44 : vector<16xf32>
        tpu.vector_store_idx %arg5[%add3A_246], %max3A_247 : memref<12400xf32, #tpu.memory_space<vmem>>[vector<16xi32>], vector<16xf32>,
        %add3A_248 = arith.constant 15 : i32
        %add3A_249 = vector.broadcast %add3A_248 : i32 to vector<16xi32>
        %add3A_250 = arith.addi %mul3A_60, %add3A_249 : vector<16xi32>
        %max3A_251 = arith.maximumf %min3A_153, %broadcast_in_dim3A_44 : vector<16xf32>
        tpu.vector_store_idx %arg5[%add3A_250], %max3A_251 : memref<12400xf32, #tpu.memory_space<vmem>>[vector<16xi32>], vector<16xf32>,
        %add3A_252 = arith.constant 16 : i32
        %add3A_253 = vector.broadcast %add3A_252 : i32 to vector<16xi32>
        %add3A_254 = arith.addi %mul3A_60, %add3A_253 : vector<16xi32>
        %max3A_255 = arith.maximumf %min3A_157, %broadcast_in_dim3A_44 : vector<16xf32>
        tpu.vector_store_idx %arg5[%add3A_254], %max3A_255 : memref<12400xf32, #tpu.memory_space<vmem>>[vector<16xi32>], vector<16xf32>,
        %add3A_256 = arith.constant 17 : i32
        %add3A_257 = vector.broadcast %add3A_256 : i32 to vector<16xi32>
        %add3A_258 = arith.addi %mul3A_60, %add3A_257 : vector<16xi32>
        %max3A_259 = arith.maximumf %min3A_158, %broadcast_in_dim3A_44 : vector<16xf32>
        tpu.vector_store_idx %arg5[%add3A_258], %max3A_259 : memref<12400xf32, #tpu.memory_space<vmem>>[vector<16xi32>], vector<16xf32>,
        %add3A_260 = arith.constant 18 : i32
        %add3A_261 = vector.broadcast %add3A_260 : i32 to vector<16xi32>
        %add3A_262 = arith.addi %mul3A_60, %add3A_261 : vector<16xi32>
        %max3A_263 = arith.maximumf %min3A_162, %broadcast_in_dim3A_44 : vector<16xf32>
        tpu.vector_store_idx %arg5[%add3A_262], %max3A_263 : memref<12400xf32, #tpu.memory_space<vmem>>[vector<16xi32>], vector<16xf32>,
        %add3A_264 = arith.constant 19 : i32
        %add3A_265 = vector.broadcast %add3A_264 : i32 to vector<16xi32>
        %add3A_266 = arith.addi %mul3A_60, %add3A_265 : vector<16xi32>
        %max3A_267 = arith.maximumf %min3A_163, %broadcast_in_dim3A_44 : vector<16xf32>
        tpu.vector_store_idx %arg5[%add3A_266], %max3A_267 : memref<12400xf32, #tpu.memory_space<vmem>>[vector<16xi32>], vector<16xf32>,
        %add3A_268 = arith.constant 20 : i32
        %add3A_269 = vector.broadcast %add3A_268 : i32 to vector<16xi32>
        %add3A_270 = arith.addi %mul3A_60, %add3A_269 : vector<16xi32>
        %max3A_271 = arith.maximumf %min3A_167, %broadcast_in_dim3A_44 : vector<16xf32>
        tpu.vector_store_idx %arg5[%add3A_270], %max3A_271 : memref<12400xf32, #tpu.memory_space<vmem>>[vector<16xi32>], vector<16xf32>,
        %add3A_272 = arith.constant 21 : i32
        %add3A_273 = vector.broadcast %add3A_272 : i32 to vector<16xi32>
        %add3A_274 = arith.addi %mul3A_60, %add3A_273 : vector<16xi32>
        %max3A_275 = arith.maximumf %min3A_168, %broadcast_in_dim3A_44 : vector<16xf32>
        tpu.vector_store_idx %arg5[%add3A_274], %max3A_275 : memref<12400xf32, #tpu.memory_space<vmem>>[vector<16xi32>], vector<16xf32>,
        %add3A_276 = arith.constant 22 : i32
        %add3A_277 = vector.broadcast %add3A_276 : i32 to vector<16xi32>
        %add3A_278 = arith.addi %mul3A_60, %add3A_277 : vector<16xi32>
        %max3A_279 = arith.maximumf %min3A_172, %broadcast_in_dim3A_44 : vector<16xf32>
        tpu.vector_store_idx %arg5[%add3A_278], %max3A_279 : memref<12400xf32, #tpu.memory_space<vmem>>[vector<16xi32>], vector<16xf32>,
        %add3A_280 = arith.constant 23 : i32
        %add3A_281 = vector.broadcast %add3A_280 : i32 to vector<16xi32>
        %add3A_282 = arith.addi %mul3A_60, %add3A_281 : vector<16xi32>
        %max3A_283 = arith.maximumf %min3A_173, %broadcast_in_dim3A_44 : vector<16xf32>
        tpu.vector_store_idx %arg5[%add3A_282], %max3A_283 : memref<12400xf32, #tpu.memory_space<vmem>>[vector<16xi32>], vector<16xf32>,
        %add3A_284 = arith.constant 24 : i32
        %add3A_285 = vector.broadcast %add3A_284 : i32 to vector<16xi32>
        %add3A_286 = arith.addi %mul3A_60, %add3A_285 : vector<16xi32>
        %max3A_287 = arith.maximumf %min3A_177, %broadcast_in_dim3A_44 : vector<16xf32>
        tpu.vector_store_idx %arg5[%add3A_286], %max3A_287 : memref<12400xf32, #tpu.memory_space<vmem>>[vector<16xi32>], vector<16xf32>,
        %add3A_288 = arith.constant 25 : i32
        %add3A_289 = vector.broadcast %add3A_288 : i32 to vector<16xi32>
        %add3A_290 = arith.addi %mul3A_60, %add3A_289 : vector<16xi32>
        %max3A_291 = arith.maximumf %min3A_178, %broadcast_in_dim3A_44 : vector<16xf32>
        tpu.vector_store_idx %arg5[%add3A_290], %max3A_291 : memref<12400xf32, #tpu.memory_space<vmem>>[vector<16xi32>], vector<16xf32>,
        %add3A_292 = arith.constant 26 : i32
        %add3A_293 = vector.broadcast %add3A_292 : i32 to vector<16xi32>
        %add3A_294 = arith.addi %mul3A_60, %add3A_293 : vector<16xi32>
        %max3A_295 = arith.maximumf %min3A_182, %broadcast_in_dim3A_44 : vector<16xf32>
        tpu.vector_store_idx %arg5[%add3A_294], %max3A_295 : memref<12400xf32, #tpu.memory_space<vmem>>[vector<16xi32>], vector<16xf32>,
        %add3A_296 = arith.constant 27 : i32
        %add3A_297 = vector.broadcast %add3A_296 : i32 to vector<16xi32>
        %add3A_298 = arith.addi %mul3A_60, %add3A_297 : vector<16xi32>
        %max3A_299 = arith.maximumf %min3A_183, %broadcast_in_dim3A_44 : vector<16xf32>
        tpu.vector_store_idx %arg5[%add3A_298], %max3A_299 : memref<12400xf32, #tpu.memory_space<vmem>>[vector<16xi32>], vector<16xf32>,
        %add3A_300 = arith.constant 28 : i32
        %add3A_301 = vector.broadcast %add3A_300 : i32 to vector<16xi32>
        %add3A_302 = arith.addi %mul3A_60, %add3A_301 : vector<16xi32>
        %max3A_303 = arith.maximumf %min3A_187, %broadcast_in_dim3A_44 : vector<16xf32>
        tpu.vector_store_idx %arg5[%add3A_302], %max3A_303 : memref<12400xf32, #tpu.memory_space<vmem>>[vector<16xi32>], vector<16xf32>,
        %add3A_304 = arith.constant 29 : i32
        %add3A_305 = vector.broadcast %add3A_304 : i32 to vector<16xi32>
        %add3A_306 = arith.addi %mul3A_60, %add3A_305 : vector<16xi32>
        %max3A_307 = arith.maximumf %min3A_188, %broadcast_in_dim3A_44 : vector<16xf32>
        tpu.vector_store_idx %arg5[%add3A_306], %max3A_307 : memref<12400xf32, #tpu.memory_space<vmem>>[vector<16xi32>], vector<16xf32>,
        %add3A_308 = arith.constant 30 : i32
        %add3A_309 = vector.broadcast %add3A_308 : i32 to vector<16xi32>
        %add3A_310 = arith.addi %mul3A_60, %add3A_309 : vector<16xi32>
        %max3A_311 = arith.maximumf %min3A_192, %broadcast_in_dim3A_44 : vector<16xf32>
        tpu.vector_store_idx %arg5[%add3A_310], %max3A_311 : memref<12400xf32, #tpu.memory_space<vmem>>[vector<16xi32>], vector<16xf32>,
      }
      %scan3A_49 = arith.constant 25 : i32
      "tpu.region"() ({
        %run_scoped3A = tpu.sem_alloc : memref<!tpu.dma_semaphore, #tpu.memory_space<semaphore_mem>>
        %dma_start3A = arith.constant 0 : i32
        %dma_start3A_50 = tpu.memref_slice %arg3[%add3A_35, %dma_start3A] : memref<125x12400xf32, #tpu.memory_space<hbm>> -> memref<1x12400xf32, #tpu.memory_space<hbm>>
        %dma_start3A_51 = tpu.memref_squeeze %dma_start3A_50 : memref<1x12400xf32, #tpu.memory_space<hbm>> -> memref<12400xf32, #tpu.memory_space<hbm>>
        %dma_start3A_52 = arith.constant 0 : i32
        %dma_start3A_53 = tpu.memref_slice %arg3[%add3A_35, %dma_start3A_52] : memref<125x12400xf32, #tpu.memory_space<hbm>> -> memref<1x12400xf32, #tpu.memory_space<hbm>>
        %dma_start3A_54 = tpu.memref_squeeze %dma_start3A_53 : memref<1x12400xf32, #tpu.memory_space<hbm>> -> memref<12400xf32, #tpu.memory_space<hbm>>
        tpu.enqueue_dma source(%arg5 : memref<12400xf32, #tpu.memory_space<vmem>>) target(%dma_start3A_54 : memref<12400xf32, #tpu.memory_space<hbm>>) target_semaphore(%run_scoped3A : memref<!tpu.dma_semaphore, #tpu.memory_space<semaphore_mem>>)
        %dma_wait3A = arith.constant 0 : i32
        %dma_wait3A_55 = tpu.memref_slice %arg3[%add3A_35, %dma_wait3A] : memref<125x12400xf32, #tpu.memory_space<hbm>> -> memref<1x12400xf32, #tpu.memory_space<hbm>>
        %dma_wait3A_56 = tpu.memref_squeeze %dma_wait3A_55 : memref<1x12400xf32, #tpu.memory_space<hbm>> -> memref<12400xf32, #tpu.memory_space<hbm>>
        %dma_wait3A_57 = arith.constant 0 : i32
        %dma_wait3A_58 = tpu.memref_slice %arg3[%add3A_35, %dma_wait3A_57] : memref<125x12400xf32, #tpu.memory_space<hbm>> -> memref<1x12400xf32, #tpu.memory_space<hbm>>
        %dma_wait3A_59 = tpu.memref_squeeze %dma_wait3A_58 : memref<1x12400xf32, #tpu.memory_space<hbm>> -> memref<12400xf32, #tpu.memory_space<hbm>>
        tpu.wait_dma2 semaphore(%run_scoped3A : memref<!tpu.dma_semaphore, #tpu.memory_space<semaphore_mem>>) src(%arg5 : memref<12400xf32, #tpu.memory_space<vmem>>) dst(%dma_wait3A_59 : memref<12400xf32, #tpu.memory_space<hbm>>)
        tpu.yield
      }) : () -> ()
    }
    %while3A_31 = arith.constant 1 : i32
    scf.for %while3A_32 = %while3A_29 to %while3A_25 step %while3A_31  : i32 {
      %mul3A_33 = arith.constant 32 : i32
      %mul3A_34 = arith.muli %while3A_32, %mul3A_33 : i32
      %add3A_35 = arith.addi %add3A, %mul3A_34 : i32
      %mul3A_36 = arith.constant 400 : i32
      %mul3A_37 = arith.muli %add3A_35, %mul3A_36 : i32
      %mul3A_38 = arith.constant 8 : i32
      %mul3A_39 = arith.muli %mul3A_37, %mul3A_38 : i32
      %mul3A_40 = arith.constant 16 : i32
      %mul3A_41 = arith.muli %mul3A_39, %mul3A_40 : i32
      "tpu.region"() ({
        %run_scoped3A = tpu.sem_alloc : memref<!tpu.dma_semaphore, #tpu.memory_space<semaphore_mem>>
        %dma_start3A = tpu.memref_slice %arg2[%mul3A_41] : memref<6400000xf32, #tpu.memory_space<hbm>> -> memref<51200xf32, #tpu.memory_space<hbm>>
        %dma_start3A_50 = tpu.memref_slice %arg2[%mul3A_41] : memref<6400000xf32, #tpu.memory_space<hbm>> -> memref<51200xf32, #tpu.memory_space<hbm>>
        tpu.enqueue_dma source(%dma_start3A_50 : memref<51200xf32, #tpu.memory_space<hbm>>) target(%arg4 : memref<51200xf32, #tpu.memory_space<vmem>>) target_semaphore(%run_scoped3A : memref<!tpu.dma_semaphore, #tpu.memory_space<semaphore_mem>>)
        %dma_wait3A = tpu.memref_slice %arg2[%mul3A_41] : memref<6400000xf32, #tpu.memory_space<hbm>> -> memref<51200xf32, #tpu.memory_space<hbm>>
        %dma_wait3A_51 = tpu.memref_slice %arg2[%mul3A_41] : memref<6400000xf32, #tpu.memory_space<hbm>> -> memref<51200xf32, #tpu.memory_space<hbm>>
        tpu.wait_dma2 semaphore(%run_scoped3A : memref<!tpu.dma_semaphore, #tpu.memory_space<semaphore_mem>>) src(%dma_wait3A_51 : memref<51200xf32, #tpu.memory_space<hbm>>) dst(%arg4 : memref<51200xf32, #tpu.memory_space<vmem>>)
        tpu.yield
      }) : () -> ()
      %iota3A = tpu.iota {dimensions = array<i32: 0>} : vector<16xi32>
      %broadcast_in_dim3A = arith.constant 1.000000e+00 : f32
      %broadcast_in_dim3A_42 = vector.broadcast %broadcast_in_dim3A : f32 to vector<16xf32>
      %broadcast_in_dim3A_43 = arith.constant 0.000000e+00 : f32
      %broadcast_in_dim3A_44 = vector.broadcast %broadcast_in_dim3A_43 : f32 to vector<16xf32>
      %scan3A = arith.constant 0 : i32
      %scan3A_45 = arith.constant 0 : i32
      %scan3A_46 = arith.constant 25 : i32
      %scan3A_47 = arith.addi %scan3A_45, %scan3A_46 : i32
      %scan3A_48 = arith.constant 1 : i32
      scf.for %scan3A_50 = %scan3A_45 to %scan3A_47 step %scan3A_48  : i32 {
        %mul3A_51 = arith.constant 16 : i32
        %mul3A_52 = arith.muli %scan3A_50, %mul3A_51 : i32
        %add3A_53 = vector.broadcast %mul3A_52 : i32 to vector<16xi32>
        %add3A_54 = arith.addi %add3A_53, %iota3A : vector<16xi32>
        %mul3A_55 = arith.constant 128 : i32
        %mul3A_56 = vector.broadcast %mul3A_55 : i32 to vector<16xi32>
        %mul3A_57 = arith.muli %add3A_54, %mul3A_56 : vector<16xi32>
        %mul3A_58 = arith.constant 31 : i32
        %mul3A_59 = vector.broadcast %mul3A_58 : i32 to vector<16xi32>
        %mul3A_60 = arith.muli %add3A_54, %mul3A_59 : vector<16xi32>
        %add3A_61 = arith.constant 0 : i32
        %add3A_62 = vector.broadcast %add3A_61 : i32 to vector<16xi32>
        %add3A_63 = arith.addi %mul3A_57, %add3A_62 : vector<16xi32>
        %gather3A = tpu.vector_load_idx %arg4[%add3A_63] : memref<51200xf32, #tpu.memory_space<vmem>>[vector<16xi32>], vector<16xf32>,
        %add3A_64 = arith.constant 1 : i32
        %add3A_65 = vector.broadcast %add3A_64 : i32 to vector<16xi32>
        %add3A_66 = arith.addi %mul3A_57, %add3A_65 : vector<16xi32>
        %gather3A_67 = tpu.vector_load_idx %arg4[%add3A_66] : memref<51200xf32, #tpu.memory_space<vmem>>[vector<16xi32>], vector<16xf32>,
        %add3A_68 = arith.constant 2 : i32
        %add3A_69 = vector.broadcast %add3A_68 : i32 to vector<16xi32>
        %add3A_70 = arith.addi %mul3A_57, %add3A_69 : vector<16xi32>
        %gather3A_71 = tpu.vector_load_idx %arg4[%add3A_70] : memref<51200xf32, #tpu.memory_space<vmem>>[vector<16xi32>], vector<16xf32>,
        %add3A_72 = arith.constant 3 : i32
        %add3A_73 = vector.broadcast %add3A_72 : i32 to vector<16xi32>
        %add3A_74 = arith.addi %mul3A_57, %add3A_73 : vector<16xi32>
        %gather3A_75 = tpu.vector_load_idx %arg4[%add3A_74] : memref<51200xf32, #tpu.memory_space<vmem>>[vector<16xi32>], vector<16xf32>,
        %add3A_76 = arith.constant 4 : i32
        %add3A_77 = vector.broadcast %add3A_76 : i32 to vector<16xi32>
        %add3A_78 = arith.addi %mul3A_57, %add3A_77 : vector<16xi32>
        %gather3A_79 = tpu.vector_load_idx %arg4[%add3A_78] : memref<51200xf32, #tpu.memory_space<vmem>>[vector<16xi32>], vector<16xf32>,
        %add3A_80 = arith.constant 5 : i32
        %add3A_81 = vector.broadcast %add3A_80 : i32 to vector<16xi32>
        %add3A_82 = arith.addi %mul3A_57, %add3A_81 : vector<16xi32>
        %gather3A_83 = tpu.vector_load_idx %arg4[%add3A_82] : memref<51200xf32, #tpu.memory_space<vmem>>[vector<16xi32>], vector<16xf32>,
        %add3A_84 = arith.constant 6 : i32
        %add3A_85 = vector.broadcast %add3A_84 : i32 to vector<16xi32>
        %add3A_86 = arith.addi %mul3A_57, %add3A_85 : vector<16xi32>
        %gather3A_87 = tpu.vector_load_idx %arg4[%add3A_86] : memref<51200xf32, #tpu.memory_space<vmem>>[vector<16xi32>], vector<16xf32>,
        %add3A_88 = arith.constant 7 : i32
        %add3A_89 = vector.broadcast %add3A_88 : i32 to vector<16xi32>
        %add3A_90 = arith.addi %mul3A_57, %add3A_89 : vector<16xi32>
        %gather3A_91 = tpu.vector_load_idx %arg4[%add3A_90] : memref<51200xf32, #tpu.memory_space<vmem>>[vector<16xi32>], vector<16xf32>,
        %add3A_92 = arith.constant 8 : i32
        %add3A_93 = vector.broadcast %add3A_92 : i32 to vector<16xi32>
        %add3A_94 = arith.addi %mul3A_57, %add3A_93 : vector<16xi32>
        %gather3A_95 = tpu.vector_load_idx %arg4[%add3A_94] : memref<51200xf32, #tpu.memory_space<vmem>>[vector<16xi32>], vector<16xf32>,
        %add3A_96 = arith.constant 9 : i32
        %add3A_97 = vector.broadcast %add3A_96 : i32 to vector<16xi32>
        %add3A_98 = arith.addi %mul3A_57, %add3A_97 : vector<16xi32>
        %gather3A_99 = tpu.vector_load_idx %arg4[%add3A_98] : memref<51200xf32, #tpu.memory_space<vmem>>[vector<16xi32>], vector<16xf32>,
        %add3A_100 = arith.constant 10 : i32
        %add3A_101 = vector.broadcast %add3A_100 : i32 to vector<16xi32>
        %add3A_102 = arith.addi %mul3A_57, %add3A_101 : vector<16xi32>
        %gather3A_103 = tpu.vector_load_idx %arg4[%add3A_102] : memref<51200xf32, #tpu.memory_space<vmem>>[vector<16xi32>], vector<16xf32>,
        %add3A_104 = arith.constant 11 : i32
        %add3A_105 = vector.broadcast %add3A_104 : i32 to vector<16xi32>
        %add3A_106 = arith.addi %mul3A_57, %add3A_105 : vector<16xi32>
        %gather3A_107 = tpu.vector_load_idx %arg4[%add3A_106] : memref<51200xf32, #tpu.memory_space<vmem>>[vector<16xi32>], vector<16xf32>,
        %add3A_108 = arith.constant 12 : i32
        %add3A_109 = vector.broadcast %add3A_108 : i32 to vector<16xi32>
        %add3A_110 = arith.addi %mul3A_57, %add3A_109 : vector<16xi32>
        %gather3A_111 = tpu.vector_load_idx %arg4[%add3A_110] : memref<51200xf32, #tpu.memory_space<vmem>>[vector<16xi32>], vector<16xf32>,
        %add3A_112 = arith.constant 13 : i32
        %add3A_113 = vector.broadcast %add3A_112 : i32 to vector<16xi32>
        %add3A_114 = arith.addi %mul3A_57, %add3A_113 : vector<16xi32>
        %gather3A_115 = tpu.vector_load_idx %arg4[%add3A_114] : memref<51200xf32, #tpu.memory_space<vmem>>[vector<16xi32>], vector<16xf32>,
        %add3A_116 = arith.constant 14 : i32
        %add3A_117 = vector.broadcast %add3A_116 : i32 to vector<16xi32>
        %add3A_118 = arith.addi %mul3A_57, %add3A_117 : vector<16xi32>
        %gather3A_119 = tpu.vector_load_idx %arg4[%add3A_118] : memref<51200xf32, #tpu.memory_space<vmem>>[vector<16xi32>], vector<16xf32>,
        %min3A = arith.minimumf %broadcast_in_dim3A_42, %gather3A : vector<16xf32>
        %neg3A = arith.constant 0.000000e+00 : f32
        %neg3A_120 = vector.broadcast %neg3A : f32 to vector<16xf32>
        %neg3A_121 = arith.subf %neg3A_120, %gather3A : vector<16xf32>
        %min3A_122 = arith.minimumf %broadcast_in_dim3A_42, %neg3A_121 : vector<16xf32>
        %min3A_123 = arith.minimumf %min3A, %gather3A_67 : vector<16xf32>
        %neg3A_124 = arith.constant 0.000000e+00 : f32
        %neg3A_125 = vector.broadcast %neg3A_124 : f32 to vector<16xf32>
        %neg3A_126 = arith.subf %neg3A_125, %gather3A_67 : vector<16xf32>
        %min3A_127 = arith.minimumf %min3A, %neg3A_126 : vector<16xf32>
        %min3A_128 = arith.minimumf %min3A_122, %gather3A_71 : vector<16xf32>
        %neg3A_129 = arith.constant 0.000000e+00 : f32
        %neg3A_130 = vector.broadcast %neg3A_129 : f32 to vector<16xf32>
        %neg3A_131 = arith.subf %neg3A_130, %gather3A_71 : vector<16xf32>
        %min3A_132 = arith.minimumf %min3A_122, %neg3A_131 : vector<16xf32>
        %min3A_133 = arith.minimumf %min3A_123, %gather3A_75 : vector<16xf32>
        %neg3A_134 = arith.constant 0.000000e+00 : f32
        %neg3A_135 = vector.broadcast %neg3A_134 : f32 to vector<16xf32>
        %neg3A_136 = arith.subf %neg3A_135, %gather3A_75 : vector<16xf32>
        %min3A_137 = arith.minimumf %min3A_123, %neg3A_136 : vector<16xf32>
        %min3A_138 = arith.minimumf %min3A_127, %gather3A_79 : vector<16xf32>
        %neg3A_139 = arith.constant 0.000000e+00 : f32
        %neg3A_140 = vector.broadcast %neg3A_139 : f32 to vector<16xf32>
        %neg3A_141 = arith.subf %neg3A_140, %gather3A_79 : vector<16xf32>
        %min3A_142 = arith.minimumf %min3A_127, %neg3A_141 : vector<16xf32>
        %min3A_143 = arith.minimumf %min3A_128, %gather3A_83 : vector<16xf32>
        %neg3A_144 = arith.constant 0.000000e+00 : f32
        %neg3A_145 = vector.broadcast %neg3A_144 : f32 to vector<16xf32>
        %neg3A_146 = arith.subf %neg3A_145, %gather3A_83 : vector<16xf32>
        %min3A_147 = arith.minimumf %min3A_128, %neg3A_146 : vector<16xf32>
        %min3A_148 = arith.minimumf %min3A_132, %gather3A_87 : vector<16xf32>
        %neg3A_149 = arith.constant 0.000000e+00 : f32
        %neg3A_150 = vector.broadcast %neg3A_149 : f32 to vector<16xf32>
        %neg3A_151 = arith.subf %neg3A_150, %gather3A_87 : vector<16xf32>
        %min3A_152 = arith.minimumf %min3A_132, %neg3A_151 : vector<16xf32>
        %min3A_153 = arith.minimumf %min3A_133, %gather3A_91 : vector<16xf32>
        %neg3A_154 = arith.constant 0.000000e+00 : f32
        %neg3A_155 = vector.broadcast %neg3A_154 : f32 to vector<16xf32>
        %neg3A_156 = arith.subf %neg3A_155, %gather3A_91 : vector<16xf32>
        %min3A_157 = arith.minimumf %min3A_133, %neg3A_156 : vector<16xf32>
        %min3A_158 = arith.minimumf %min3A_137, %gather3A_95 : vector<16xf32>
        %neg3A_159 = arith.constant 0.000000e+00 : f32
        %neg3A_160 = vector.broadcast %neg3A_159 : f32 to vector<16xf32>
        %neg3A_161 = arith.subf %neg3A_160, %gather3A_95 : vector<16xf32>
        %min3A_162 = arith.minimumf %min3A_137, %neg3A_161 : vector<16xf32>
        %min3A_163 = arith.minimumf %min3A_138, %gather3A_99 : vector<16xf32>
        %neg3A_164 = arith.constant 0.000000e+00 : f32
        %neg3A_165 = vector.broadcast %neg3A_164 : f32 to vector<16xf32>
        %neg3A_166 = arith.subf %neg3A_165, %gather3A_99 : vector<16xf32>
        %min3A_167 = arith.minimumf %min3A_138, %neg3A_166 : vector<16xf32>
        %min3A_168 = arith.minimumf %min3A_142, %gather3A_103 : vector<16xf32>
        %neg3A_169 = arith.constant 0.000000e+00 : f32
        %neg3A_170 = vector.broadcast %neg3A_169 : f32 to vector<16xf32>
        %neg3A_171 = arith.subf %neg3A_170, %gather3A_103 : vector<16xf32>
        %min3A_172 = arith.minimumf %min3A_142, %neg3A_171 : vector<16xf32>
        %min3A_173 = arith.minimumf %min3A_143, %gather3A_107 : vector<16xf32>
        %neg3A_174 = arith.constant 0.000000e+00 : f32
        %neg3A_175 = vector.broadcast %neg3A_174 : f32 to vector<16xf32>
        %neg3A_176 = arith.subf %neg3A_175, %gather3A_107 : vector<16xf32>
        %min3A_177 = arith.minimumf %min3A_143, %neg3A_176 : vector<16xf32>
        %min3A_178 = arith.minimumf %min3A_147, %gather3A_111 : vector<16xf32>
        %neg3A_179 = arith.constant 0.000000e+00 : f32
        %neg3A_180 = vector.broadcast %neg3A_179 : f32 to vector<16xf32>
        %neg3A_181 = arith.subf %neg3A_180, %gather3A_111 : vector<16xf32>
        %min3A_182 = arith.minimumf %min3A_147, %neg3A_181 : vector<16xf32>
        %min3A_183 = arith.minimumf %min3A_148, %gather3A_115 : vector<16xf32>
        %neg3A_184 = arith.constant 0.000000e+00 : f32
        %neg3A_185 = vector.broadcast %neg3A_184 : f32 to vector<16xf32>
        %neg3A_186 = arith.subf %neg3A_185, %gather3A_115 : vector<16xf32>
        %min3A_187 = arith.minimumf %min3A_148, %neg3A_186 : vector<16xf32>
        %min3A_188 = arith.minimumf %min3A_152, %gather3A_119 : vector<16xf32>
        %neg3A_189 = arith.constant 0.000000e+00 : f32
        %neg3A_190 = vector.broadcast %neg3A_189 : f32 to vector<16xf32>
        %neg3A_191 = arith.subf %neg3A_190, %gather3A_119 : vector<16xf32>
        %min3A_192 = arith.minimumf %min3A_152, %neg3A_191 : vector<16xf32>
        tpu.vector_store_idx %arg5[%mul3A_60], %broadcast_in_dim3A_42 : memref<12400xf32, #tpu.memory_space<vmem>>[vector<16xi32>], vector<16xf32>,
        %add3A_193 = arith.constant 1 : i32
        %add3A_194 = vector.broadcast %add3A_193 : i32 to vector<16xi32>
        %add3A_195 = arith.addi %mul3A_60, %add3A_194 : vector<16xi32>
        %max3A = arith.maximumf %min3A, %broadcast_in_dim3A_44 : vector<16xf32>
        tpu.vector_store_idx %arg5[%add3A_195], %max3A : memref<12400xf32, #tpu.memory_space<vmem>>[vector<16xi32>], vector<16xf32>,
        %add3A_196 = arith.constant 2 : i32
        %add3A_197 = vector.broadcast %add3A_196 : i32 to vector<16xi32>
        %add3A_198 = arith.addi %mul3A_60, %add3A_197 : vector<16xi32>
        %max3A_199 = arith.maximumf %min3A_122, %broadcast_in_dim3A_44 : vector<16xf32>
        tpu.vector_store_idx %arg5[%add3A_198], %max3A_199 : memref<12400xf32, #tpu.memory_space<vmem>>[vector<16xi32>], vector<16xf32>,
        %add3A_200 = arith.constant 3 : i32
        %add3A_201 = vector.broadcast %add3A_200 : i32 to vector<16xi32>
        %add3A_202 = arith.addi %mul3A_60, %add3A_201 : vector<16xi32>
        %max3A_203 = arith.maximumf %min3A_123, %broadcast_in_dim3A_44 : vector<16xf32>
        tpu.vector_store_idx %arg5[%add3A_202], %max3A_203 : memref<12400xf32, #tpu.memory_space<vmem>>[vector<16xi32>], vector<16xf32>,
        %add3A_204 = arith.constant 4 : i32
        %add3A_205 = vector.broadcast %add3A_204 : i32 to vector<16xi32>
        %add3A_206 = arith.addi %mul3A_60, %add3A_205 : vector<16xi32>
        %max3A_207 = arith.maximumf %min3A_127, %broadcast_in_dim3A_44 : vector<16xf32>
        tpu.vector_store_idx %arg5[%add3A_206], %max3A_207 : memref<12400xf32, #tpu.memory_space<vmem>>[vector<16xi32>], vector<16xf32>,
        %add3A_208 = arith.constant 5 : i32
        %add3A_209 = vector.broadcast %add3A_208 : i32 to vector<16xi32>
        %add3A_210 = arith.addi %mul3A_60, %add3A_209 : vector<16xi32>
        %max3A_211 = arith.maximumf %min3A_128, %broadcast_in_dim3A_44 : vector<16xf32>
        tpu.vector_store_idx %arg5[%add3A_210], %max3A_211 : memref<12400xf32, #tpu.memory_space<vmem>>[vector<16xi32>], vector<16xf32>,
        %add3A_212 = arith.constant 6 : i32
        %add3A_213 = vector.broadcast %add3A_212 : i32 to vector<16xi32>
        %add3A_214 = arith.addi %mul3A_60, %add3A_213 : vector<16xi32>
        %max3A_215 = arith.maximumf %min3A_132, %broadcast_in_dim3A_44 : vector<16xf32>
        tpu.vector_store_idx %arg5[%add3A_214], %max3A_215 : memref<12400xf32, #tpu.memory_space<vmem>>[vector<16xi32>], vector<16xf32>,
        %add3A_216 = arith.constant 7 : i32
        %add3A_217 = vector.broadcast %add3A_216 : i32 to vector<16xi32>
        %add3A_218 = arith.addi %mul3A_60, %add3A_217 : vector<16xi32>
        %max3A_219 = arith.maximumf %min3A_133, %broadcast_in_dim3A_44 : vector<16xf32>
        tpu.vector_store_idx %arg5[%add3A_218], %max3A_219 : memref<12400xf32, #tpu.memory_space<vmem>>[vector<16xi32>], vector<16xf32>,
        %add3A_220 = arith.constant 8 : i32
        %add3A_221 = vector.broadcast %add3A_220 : i32 to vector<16xi32>
        %add3A_222 = arith.addi %mul3A_60, %add3A_221 : vector<16xi32>
        %max3A_223 = arith.maximumf %min3A_137, %broadcast_in_dim3A_44 : vector<16xf32>
        tpu.vector_store_idx %arg5[%add3A_222], %max3A_223 : memref<12400xf32, #tpu.memory_space<vmem>>[vector<16xi32>], vector<16xf32>,
        %add3A_224 = arith.constant 9 : i32
        %add3A_225 = vector.broadcast %add3A_224 : i32 to vector<16xi32>
        %add3A_226 = arith.addi %mul3A_60, %add3A_225 : vector<16xi32>
        %max3A_227 = arith.maximumf %min3A_138, %broadcast_in_dim3A_44 : vector<16xf32>
        tpu.vector_store_idx %arg5[%add3A_226], %max3A_227 : memref<12400xf32, #tpu.memory_space<vmem>>[vector<16xi32>], vector<16xf32>,
        %add3A_228 = arith.constant 10 : i32
        %add3A_229 = vector.broadcast %add3A_228 : i32 to vector<16xi32>
        %add3A_230 = arith.addi %mul3A_60, %add3A_229 : vector<16xi32>
        %max3A_231 = arith.maximumf %min3A_142, %broadcast_in_dim3A_44 : vector<16xf32>
        tpu.vector_store_idx %arg5[%add3A_230], %max3A_231 : memref<12400xf32, #tpu.memory_space<vmem>>[vector<16xi32>], vector<16xf32>,
        %add3A_232 = arith.constant 11 : i32
        %add3A_233 = vector.broadcast %add3A_232 : i32 to vector<16xi32>
        %add3A_234 = arith.addi %mul3A_60, %add3A_233 : vector<16xi32>
        %max3A_235 = arith.maximumf %min3A_143, %broadcast_in_dim3A_44 : vector<16xf32>
        tpu.vector_store_idx %arg5[%add3A_234], %max3A_235 : memref<12400xf32, #tpu.memory_space<vmem>>[vector<16xi32>], vector<16xf32>,
        %add3A_236 = arith.constant 12 : i32
        %add3A_237 = vector.broadcast %add3A_236 : i32 to vector<16xi32>
        %add3A_238 = arith.addi %mul3A_60, %add3A_237 : vector<16xi32>
        %max3A_239 = arith.maximumf %min3A_147, %broadcast_in_dim3A_44 : vector<16xf32>
        tpu.vector_store_idx %arg5[%add3A_238], %max3A_239 : memref<12400xf32, #tpu.memory_space<vmem>>[vector<16xi32>], vector<16xf32>,
        %add3A_240 = arith.constant 13 : i32
        %add3A_241 = vector.broadcast %add3A_240 : i32 to vector<16xi32>
        %add3A_242 = arith.addi %mul3A_60, %add3A_241 : vector<16xi32>
        %max3A_243 = arith.maximumf %min3A_148, %broadcast_in_dim3A_44 : vector<16xf32>
        tpu.vector_store_idx %arg5[%add3A_242], %max3A_243 : memref<12400xf32, #tpu.memory_space<vmem>>[vector<16xi32>], vector<16xf32>,
        %add3A_244 = arith.constant 14 : i32
        %add3A_245 = vector.broadcast %add3A_244 : i32 to vector<16xi32>
        %add3A_246 = arith.addi %mul3A_60, %add3A_245 : vector<16xi32>
        %max3A_247 = arith.maximumf %min3A_152, %broadcast_in_dim3A_44 : vector<16xf32>
        tpu.vector_store_idx %arg5[%add3A_246], %max3A_247 : memref<12400xf32, #tpu.memory_space<vmem>>[vector<16xi32>], vector<16xf32>,
        %add3A_248 = arith.constant 15 : i32
        %add3A_249 = vector.broadcast %add3A_248 : i32 to vector<16xi32>
        %add3A_250 = arith.addi %mul3A_60, %add3A_249 : vector<16xi32>
        %max3A_251 = arith.maximumf %min3A_153, %broadcast_in_dim3A_44 : vector<16xf32>
        tpu.vector_store_idx %arg5[%add3A_250], %max3A_251 : memref<12400xf32, #tpu.memory_space<vmem>>[vector<16xi32>], vector<16xf32>,
        %add3A_252 = arith.constant 16 : i32
        %add3A_253 = vector.broadcast %add3A_252 : i32 to vector<16xi32>
        %add3A_254 = arith.addi %mul3A_60, %add3A_253 : vector<16xi32>
        %max3A_255 = arith.maximumf %min3A_157, %broadcast_in_dim3A_44 : vector<16xf32>
        tpu.vector_store_idx %arg5[%add3A_254], %max3A_255 : memref<12400xf32, #tpu.memory_space<vmem>>[vector<16xi32>], vector<16xf32>,
        %add3A_256 = arith.constant 17 : i32
        %add3A_257 = vector.broadcast %add3A_256 : i32 to vector<16xi32>
        %add3A_258 = arith.addi %mul3A_60, %add3A_257 : vector<16xi32>
        %max3A_259 = arith.maximumf %min3A_158, %broadcast_in_dim3A_44 : vector<16xf32>
        tpu.vector_store_idx %arg5[%add3A_258], %max3A_259 : memref<12400xf32, #tpu.memory_space<vmem>>[vector<16xi32>], vector<16xf32>,
        %add3A_260 = arith.constant 18 : i32
        %add3A_261 = vector.broadcast %add3A_260 : i32 to vector<16xi32>
        %add3A_262 = arith.addi %mul3A_60, %add3A_261 : vector<16xi32>
        %max3A_263 = arith.maximumf %min3A_162, %broadcast_in_dim3A_44 : vector<16xf32>
        tpu.vector_store_idx %arg5[%add3A_262], %max3A_263 : memref<12400xf32, #tpu.memory_space<vmem>>[vector<16xi32>], vector<16xf32>,
        %add3A_264 = arith.constant 19 : i32
        %add3A_265 = vector.broadcast %add3A_264 : i32 to vector<16xi32>
        %add3A_266 = arith.addi %mul3A_60, %add3A_265 : vector<16xi32>
        %max3A_267 = arith.maximumf %min3A_163, %broadcast_in_dim3A_44 : vector<16xf32>
        tpu.vector_store_idx %arg5[%add3A_266], %max3A_267 : memref<12400xf32, #tpu.memory_space<vmem>>[vector<16xi32>], vector<16xf32>,
        %add3A_268 = arith.constant 20 : i32
        %add3A_269 = vector.broadcast %add3A_268 : i32 to vector<16xi32>
        %add3A_270 = arith.addi %mul3A_60, %add3A_269 : vector<16xi32>
        %max3A_271 = arith.maximumf %min3A_167, %broadcast_in_dim3A_44 : vector<16xf32>
        tpu.vector_store_idx %arg5[%add3A_270], %max3A_271 : memref<12400xf32, #tpu.memory_space<vmem>>[vector<16xi32>], vector<16xf32>,
        %add3A_272 = arith.constant 21 : i32
        %add3A_273 = vector.broadcast %add3A_272 : i32 to vector<16xi32>
        %add3A_274 = arith.addi %mul3A_60, %add3A_273 : vector<16xi32>
        %max3A_275 = arith.maximumf %min3A_168, %broadcast_in_dim3A_44 : vector<16xf32>
        tpu.vector_store_idx %arg5[%add3A_274], %max3A_275 : memref<12400xf32, #tpu.memory_space<vmem>>[vector<16xi32>], vector<16xf32>,
        %add3A_276 = arith.constant 22 : i32
        %add3A_277 = vector.broadcast %add3A_276 : i32 to vector<16xi32>
        %add3A_278 = arith.addi %mul3A_60, %add3A_277 : vector<16xi32>
        %max3A_279 = arith.maximumf %min3A_172, %broadcast_in_dim3A_44 : vector<16xf32>
        tpu.vector_store_idx %arg5[%add3A_278], %max3A_279 : memref<12400xf32, #tpu.memory_space<vmem>>[vector<16xi32>], vector<16xf32>,
        %add3A_280 = arith.constant 23 : i32
        %add3A_281 = vector.broadcast %add3A_280 : i32 to vector<16xi32>
        %add3A_282 = arith.addi %mul3A_60, %add3A_281 : vector<16xi32>
        %max3A_283 = arith.maximumf %min3A_173, %broadcast_in_dim3A_44 : vector<16xf32>
        tpu.vector_store_idx %arg5[%add3A_282], %max3A_283 : memref<12400xf32, #tpu.memory_space<vmem>>[vector<16xi32>], vector<16xf32>,
        %add3A_284 = arith.constant 24 : i32
        %add3A_285 = vector.broadcast %add3A_284 : i32 to vector<16xi32>
        %add3A_286 = arith.addi %mul3A_60, %add3A_285 : vector<16xi32>
        %max3A_287 = arith.maximumf %min3A_177, %broadcast_in_dim3A_44 : vector<16xf32>
        tpu.vector_store_idx %arg5[%add3A_286], %max3A_287 : memref<12400xf32, #tpu.memory_space<vmem>>[vector<16xi32>], vector<16xf32>,
        %add3A_288 = arith.constant 25 : i32
        %add3A_289 = vector.broadcast %add3A_288 : i32 to vector<16xi32>
        %add3A_290 = arith.addi %mul3A_60, %add3A_289 : vector<16xi32>
        %max3A_291 = arith.maximumf %min3A_178, %broadcast_in_dim3A_44 : vector<16xf32>
        tpu.vector_store_idx %arg5[%add3A_290], %max3A_291 : memref<12400xf32, #tpu.memory_space<vmem>>[vector<16xi32>], vector<16xf32>,
        %add3A_292 = arith.constant 26 : i32
        %add3A_293 = vector.broadcast %add3A_292 : i32 to vector<16xi32>
        %add3A_294 = arith.addi %mul3A_60, %add3A_293 : vector<16xi32>
        %max3A_295 = arith.maximumf %min3A_182, %broadcast_in_dim3A_44 : vector<16xf32>
        tpu.vector_store_idx %arg5[%add3A_294], %max3A_295 : memref<12400xf32, #tpu.memory_space<vmem>>[vector<16xi32>], vector<16xf32>,
        %add3A_296 = arith.constant 27 : i32
        %add3A_297 = vector.broadcast %add3A_296 : i32 to vector<16xi32>
        %add3A_298 = arith.addi %mul3A_60, %add3A_297 : vector<16xi32>
        %max3A_299 = arith.maximumf %min3A_183, %broadcast_in_dim3A_44 : vector<16xf32>
        tpu.vector_store_idx %arg5[%add3A_298], %max3A_299 : memref<12400xf32, #tpu.memory_space<vmem>>[vector<16xi32>], vector<16xf32>,
        %add3A_300 = arith.constant 28 : i32
        %add3A_301 = vector.broadcast %add3A_300 : i32 to vector<16xi32>
        %add3A_302 = arith.addi %mul3A_60, %add3A_301 : vector<16xi32>
        %max3A_303 = arith.maximumf %min3A_187, %broadcast_in_dim3A_44 : vector<16xf32>
        tpu.vector_store_idx %arg5[%add3A_302], %max3A_303 : memref<12400xf32, #tpu.memory_space<vmem>>[vector<16xi32>], vector<16xf32>,
        %add3A_304 = arith.constant 29 : i32
        %add3A_305 = vector.broadcast %add3A_304 : i32 to vector<16xi32>
        %add3A_306 = arith.addi %mul3A_60, %add3A_305 : vector<16xi32>
        %max3A_307 = arith.maximumf %min3A_188, %broadcast_in_dim3A_44 : vector<16xf32>
        tpu.vector_store_idx %arg5[%add3A_306], %max3A_307 : memref<12400xf32, #tpu.memory_space<vmem>>[vector<16xi32>], vector<16xf32>,
        %add3A_308 = arith.constant 30 : i32
        %add3A_309 = vector.broadcast %add3A_308 : i32 to vector<16xi32>
        %add3A_310 = arith.addi %mul3A_60, %add3A_309 : vector<16xi32>
        %max3A_311 = arith.maximumf %min3A_192, %broadcast_in_dim3A_44 : vector<16xf32>
        tpu.vector_store_idx %arg5[%add3A_310], %max3A_311 : memref<12400xf32, #tpu.memory_space<vmem>>[vector<16xi32>], vector<16xf32>,
      }
      %scan3A_49 = arith.constant 25 : i32
      "tpu.region"() ({
        %run_scoped3A = tpu.sem_alloc : memref<!tpu.dma_semaphore, #tpu.memory_space<semaphore_mem>>
        %dma_start3A = arith.constant 0 : i32
        %dma_start3A_50 = tpu.memref_slice %arg3[%add3A_35, %dma_start3A] : memref<125x12400xf32, #tpu.memory_space<hbm>> -> memref<1x12400xf32, #tpu.memory_space<hbm>>
        %dma_start3A_51 = tpu.memref_squeeze %dma_start3A_50 : memref<1x12400xf32, #tpu.memory_space<hbm>> -> memref<12400xf32, #tpu.memory_space<hbm>>
        %dma_start3A_52 = arith.constant 0 : i32
        %dma_start3A_53 = tpu.memref_slice %arg3[%add3A_35, %dma_start3A_52] : memref<125x12400xf32, #tpu.memory_space<hbm>> -> memref<1x12400xf32, #tpu.memory_space<hbm>>
        %dma_start3A_54 = tpu.memref_squeeze %dma_start3A_53 : memref<1x12400xf32, #tpu.memory_space<hbm>> -> memref<12400xf32, #tpu.memory_space<hbm>>
        tpu.enqueue_dma source(%arg5 : memref<12400xf32, #tpu.memory_space<vmem>>) target(%dma_start3A_54 : memref<12400xf32, #tpu.memory_space<hbm>>) target_semaphore(%run_scoped3A : memref<!tpu.dma_semaphore, #tpu.memory_space<semaphore_mem>>)
        %dma_wait3A = arith.constant 0 : i32
        %dma_wait3A_55 = tpu.memref_slice %arg3[%add3A_35, %dma_wait3A] : memref<125x12400xf32, #tpu.memory_space<hbm>> -> memref<1x12400xf32, #tpu.memory_space<hbm>>
        %dma_wait3A_56 = tpu.memref_squeeze %dma_wait3A_55 : memref<1x12400xf32, #tpu.memory_space<hbm>> -> memref<12400xf32, #tpu.memory_space<hbm>>
        %dma_wait3A_57 = arith.constant 0 : i32
        %dma_wait3A_58 = tpu.memref_slice %arg3[%add3A_35, %dma_wait3A_57] : memref<125x12400xf32, #tpu.memory_space<hbm>> -> memref<1x12400xf32, #tpu.memory_space<hbm>>
        %dma_wait3A_59 = tpu.memref_squeeze %dma_wait3A_58 : memref<1x12400xf32, #tpu.memory_space<hbm>> -> memref<12400xf32, #tpu.memory_space<hbm>>
        tpu.wait_dma2 semaphore(%run_scoped3A : memref<!tpu.dma_semaphore, #tpu.memory_space<semaphore_mem>>) src(%arg5 : memref<12400xf32, #tpu.memory_space<vmem>>) dst(%dma_wait3A_59 : memref<12400xf32, #tpu.memory_space<hbm>>)
        tpu.yield
      }) : () -> ()
    }
    return
  }
}

#map = affine_map<(d0, d1) -> (0)>
#map1 = affine_map<(d0, d1) -> (0, 0)>
module attributes {stable_mosaic.version = 14 : i64} {
  func.func @tree_sc(%arg0: i32, %arg1: i32, %arg2: memref<6400000xf32, #tpu.memory_space<hbm>>, %arg3: memref<125x12400xf32, #tpu.memory_space<hbm>>, %arg4: memref<51200xf32, #tpu.memory_space<vmem>>, %arg5: memref<12400xf32, #tpu.memory_space<vmem>>) attributes {dimension_semantics = [#tpu.dimension_semantics<core_parallel>, #tpu.dimension_semantics<subcore_parallel>], iteration_bounds = array<i64: 2, 16>, scalar_prefetch = 0 : i64, scratch_operands = 2 : i64, tpu.core_type = #tpu.core_type<sc_vector_subcore>, window_params = [{transform_indices = #map}, {transform_indices = #map1}]} {
    %mul3A = arith.constant 2 : i32
    %mul3A_0 = arith.muli %arg1, %mul3A : i32
    %add3A = arith.addi %mul3A_0, %arg0 : i32
    %sub3A = arith.constant 125 : i32
    %sub3A_1 = arith.subi %sub3A, %add3A : i32
    %add3A_2 = arith.constant 32 : i32
    %add3A_3 = arith.addi %sub3A_1, %add3A_2 : i32
    %sub3A_4 = arith.constant 1 : i32
    %sub3A_5 = arith.subi %add3A_3, %sub3A_4 : i32
    %jit3A = arith.constant 32 : i32
    %div3A = arith.divsi %sub3A_5, %jit3A : i32
    %sign3A = arith.constant 0 : i32
    %sign3A_6 = arith.cmpi sgt, %sub3A_5, %sign3A : i32
    %sign3A_7 = arith.extui %sign3A_6 : i1 to i32
    %sign3A_8 = arith.constant 0 : i32
    %sign3A_9 = arith.cmpi slt, %sub3A_5, %sign3A_8 : i32
    %sign3A_10 = arith.extui %sign3A_9 : i1 to i32
    %sign3A_11 = arith.subi %sign3A_7, %sign3A_10 : i32
    %sign3A_12 = arith.constant 0 : i32
    %sign3A_13 = arith.cmpi sgt, %jit3A, %sign3A_12 : i32
    %sign3A_14 = arith.extui %sign3A_13 : i1 to i32
    %sign3A_15 = arith.constant 0 : i32
    %sign3A_16 = arith.cmpi slt, %jit3A, %sign3A_15 : i32
    %sign3A_17 = arith.extui %sign3A_16 : i1 to i32
    %sign3A_18 = arith.subi %sign3A_14, %sign3A_17 : i32
    %ne3A = arith.cmpi ne, %sign3A_11, %sign3A_18 : i32
    %rem3A = arith.remsi %sub3A_5, %jit3A : i32
    %ne3A_19 = arith.constant 0 : i32
    %ne3A_20 = arith.cmpi ne, %rem3A, %ne3A_19 : i32
    %and3A = arith.andi %ne3A, %ne3A_20 : i1
    %sub3A_21 = arith.constant 1 : i32
    %sub3A_22 = arith.subi %div3A, %sub3A_21 : i32
    %select_n3A = arith.select %and3A, %sub3A_22, %div3A : i32
    %while3A = arith.constant 0 : i32
    %while3A_23 = arith.constant 0 : i32
    %while3A_24 = arith.subi %select_n3A, %while3A_23 : i32
    %while3A_25 = arith.addi %while3A_23, %while3A_24 : i32
    %while3A_26 = arith.constant 1 : i32
    %while3A_27 = arith.divsi %while3A_24, %while3A_26 : i32
    %while3A_28 = arith.muli %while3A_27, %while3A_26 : i32
    %while3A_29 = arith.addi %while3A_23, %while3A_28 : i32
    %while3A_30 = arith.constant 1 : i32
    scf.for %while3A_32 = %while3A_23 to %while3A_29 step %while3A_30  : i32 {
      %mul3A_33 = arith.constant 32 : i32
      %mul3A_34 = arith.muli %while3A_32, %mul3A_33 : i32
      %add3A_35 = arith.addi %add3A, %mul3A_34 : i32
      %mul3A_36 = arith.constant 400 : i32
      %mul3A_37 = arith.muli %add3A_35, %mul3A_36 : i32
      %mul3A_38 = arith.constant 8 : i32
      %mul3A_39 = arith.muli %mul3A_37, %mul3A_38 : i32
      %mul3A_40 = arith.constant 16 : i32
      %mul3A_41 = arith.muli %mul3A_39, %mul3A_40 : i32
      "tpu.region"() ({
        %run_scoped3A = tpu.sem_alloc : memref<!tpu.dma_semaphore, #tpu.memory_space<semaphore_mem>>
        %dma_start3A = tpu.memref_slice %arg2[%mul3A_41] : memref<6400000xf32, #tpu.memory_space<hbm>> -> memref<51200xf32, #tpu.memory_space<hbm>>
        %dma_start3A_50 = tpu.memref_slice %arg2[%mul3A_41] : memref<6400000xf32, #tpu.memory_space<hbm>> -> memref<51200xf32, #tpu.memory_space<hbm>>
        tpu.enqueue_dma source(%dma_start3A_50 : memref<51200xf32, #tpu.memory_space<hbm>>) target(%arg4 : memref<51200xf32, #tpu.memory_space<vmem>>) target_semaphore(%run_scoped3A : memref<!tpu.dma_semaphore, #tpu.memory_space<semaphore_mem>>)
        %dma_wait3A = tpu.memref_slice %arg2[%mul3A_41] : memref<6400000xf32, #tpu.memory_space<hbm>> -> memref<51200xf32, #tpu.memory_space<hbm>>
        %dma_wait3A_51 = tpu.memref_slice %arg2[%mul3A_41] : memref<6400000xf32, #tpu.memory_space<hbm>> -> memref<51200xf32, #tpu.memory_space<hbm>>
        tpu.wait_dma2 semaphore(%run_scoped3A : memref<!tpu.dma_semaphore, #tpu.memory_space<semaphore_mem>>) src(%dma_wait3A_51 : memref<51200xf32, #tpu.memory_space<hbm>>) dst(%arg4 : memref<51200xf32, #tpu.memory_space<vmem>>)
        tpu.yield
      }) : () -> ()
      %iota3A = tpu.iota {dimensions = array<i32: 0>} : vector<16xi32>
      %broadcast_in_dim3A = arith.constant 1.000000e+00 : f32
      %broadcast_in_dim3A_42 = vector.broadcast %broadcast_in_dim3A : f32 to vector<16xf32>
      %broadcast_in_dim3A_43 = arith.constant 0.000000e+00 : f32
      %broadcast_in_dim3A_44 = vector.broadcast %broadcast_in_dim3A_43 : f32 to vector<16xf32>
      %scan3A = arith.constant 0 : i32
      %scan3A_45 = arith.constant 0 : i32
      %scan3A_46 = arith.constant 25 : i32
      %scan3A_47 = arith.addi %scan3A_45, %scan3A_46 : i32
      %scan3A_48 = arith.constant 1 : i32
      scf.for %scan3A_50 = %scan3A_45 to %scan3A_47 step %scan3A_48  : i32 {
        %mul3A_51 = arith.constant 16 : i32
        %mul3A_52 = arith.muli %scan3A_50, %mul3A_51 : i32
        %add3A_53 = vector.broadcast %mul3A_52 : i32 to vector<16xi32>
        %add3A_54 = arith.addi %add3A_53, %iota3A : vector<16xi32>
        %mul3A_55 = arith.constant 128 : i32
        %mul3A_56 = vector.broadcast %mul3A_55 : i32 to vector<16xi32>
        %mul3A_57 = arith.muli %add3A_54, %mul3A_56 : vector<16xi32>
        %mul3A_58 = arith.constant 31 : i32
        %mul3A_59 = vector.broadcast %mul3A_58 : i32 to vector<16xi32>
        %mul3A_60 = arith.muli %add3A_54, %mul3A_59 : vector<16xi32>
        %add3A_61 = arith.constant 0 : i32
        %add3A_62 = vector.broadcast %add3A_61 : i32 to vector<16xi32>
        %add3A_63 = arith.addi %mul3A_57, %add3A_62 : vector<16xi32>
        %gather3A = tpu.vector_load_idx %arg4[%add3A_63] : memref<51200xf32, #tpu.memory_space<vmem>>[vector<16xi32>], vector<16xf32>,
        %add3A_64 = arith.constant 1 : i32
        %add3A_65 = vector.broadcast %add3A_64 : i32 to vector<16xi32>
        %add3A_66 = arith.addi %mul3A_57, %add3A_65 : vector<16xi32>
        %gather3A_67 = tpu.vector_load_idx %arg4[%add3A_66] : memref<51200xf32, #tpu.memory_space<vmem>>[vector<16xi32>], vector<16xf32>,
        %add3A_68 = arith.constant 2 : i32
        %add3A_69 = vector.broadcast %add3A_68 : i32 to vector<16xi32>
        %add3A_70 = arith.addi %mul3A_57, %add3A_69 : vector<16xi32>
        %gather3A_71 = tpu.vector_load_idx %arg4[%add3A_70] : memref<51200xf32, #tpu.memory_space<vmem>>[vector<16xi32>], vector<16xf32>,
        %add3A_72 = arith.constant 3 : i32
        %add3A_73 = vector.broadcast %add3A_72 : i32 to vector<16xi32>
        %add3A_74 = arith.addi %mul3A_57, %add3A_73 : vector<16xi32>
        %gather3A_75 = tpu.vector_load_idx %arg4[%add3A_74] : memref<51200xf32, #tpu.memory_space<vmem>>[vector<16xi32>], vector<16xf32>,
        %add3A_76 = arith.constant 4 : i32
        %add3A_77 = vector.broadcast %add3A_76 : i32 to vector<16xi32>
        %add3A_78 = arith.addi %mul3A_57, %add3A_77 : vector<16xi32>
        %gather3A_79 = tpu.vector_load_idx %arg4[%add3A_78] : memref<51200xf32, #tpu.memory_space<vmem>>[vector<16xi32>], vector<16xf32>,
        %add3A_80 = arith.constant 5 : i32
        %add3A_81 = vector.broadcast %add3A_80 : i32 to vector<16xi32>
        %add3A_82 = arith.addi %mul3A_57, %add3A_81 : vector<16xi32>
        %gather3A_83 = tpu.vector_load_idx %arg4[%add3A_82] : memref<51200xf32, #tpu.memory_space<vmem>>[vector<16xi32>], vector<16xf32>,
        %add3A_84 = arith.constant 6 : i32
        %add3A_85 = vector.broadcast %add3A_84 : i32 to vector<16xi32>
        %add3A_86 = arith.addi %mul3A_57, %add3A_85 : vector<16xi32>
        %gather3A_87 = tpu.vector_load_idx %arg4[%add3A_86] : memref<51200xf32, #tpu.memory_space<vmem>>[vector<16xi32>], vector<16xf32>,
        %add3A_88 = arith.constant 7 : i32
        %add3A_89 = vector.broadcast %add3A_88 : i32 to vector<16xi32>
        %add3A_90 = arith.addi %mul3A_57, %add3A_89 : vector<16xi32>
        %gather3A_91 = tpu.vector_load_idx %arg4[%add3A_90] : memref<51200xf32, #tpu.memory_space<vmem>>[vector<16xi32>], vector<16xf32>,
        %add3A_92 = arith.constant 8 : i32
        %add3A_93 = vector.broadcast %add3A_92 : i32 to vector<16xi32>
        %add3A_94 = arith.addi %mul3A_57, %add3A_93 : vector<16xi32>
        %gather3A_95 = tpu.vector_load_idx %arg4[%add3A_94] : memref<51200xf32, #tpu.memory_space<vmem>>[vector<16xi32>], vector<16xf32>,
        %add3A_96 = arith.constant 9 : i32
        %add3A_97 = vector.broadcast %add3A_96 : i32 to vector<16xi32>
        %add3A_98 = arith.addi %mul3A_57, %add3A_97 : vector<16xi32>
        %gather3A_99 = tpu.vector_load_idx %arg4[%add3A_98] : memref<51200xf32, #tpu.memory_space<vmem>>[vector<16xi32>], vector<16xf32>,
        %add3A_100 = arith.constant 10 : i32
        %add3A_101 = vector.broadcast %add3A_100 : i32 to vector<16xi32>
        %add3A_102 = arith.addi %mul3A_57, %add3A_101 : vector<16xi32>
        %gather3A_103 = tpu.vector_load_idx %arg4[%add3A_102] : memref<51200xf32, #tpu.memory_space<vmem>>[vector<16xi32>], vector<16xf32>,
        %add3A_104 = arith.constant 11 : i32
        %add3A_105 = vector.broadcast %add3A_104 : i32 to vector<16xi32>
        %add3A_106 = arith.addi %mul3A_57, %add3A_105 : vector<16xi32>
        %gather3A_107 = tpu.vector_load_idx %arg4[%add3A_106] : memref<51200xf32, #tpu.memory_space<vmem>>[vector<16xi32>], vector<16xf32>,
        %add3A_108 = arith.constant 12 : i32
        %add3A_109 = vector.broadcast %add3A_108 : i32 to vector<16xi32>
        %add3A_110 = arith.addi %mul3A_57, %add3A_109 : vector<16xi32>
        %gather3A_111 = tpu.vector_load_idx %arg4[%add3A_110] : memref<51200xf32, #tpu.memory_space<vmem>>[vector<16xi32>], vector<16xf32>,
        %add3A_112 = arith.constant 13 : i32
        %add3A_113 = vector.broadcast %add3A_112 : i32 to vector<16xi32>
        %add3A_114 = arith.addi %mul3A_57, %add3A_113 : vector<16xi32>
        %gather3A_115 = tpu.vector_load_idx %arg4[%add3A_114] : memref<51200xf32, #tpu.memory_space<vmem>>[vector<16xi32>], vector<16xf32>,
        %add3A_116 = arith.constant 14 : i32
        %add3A_117 = vector.broadcast %add3A_116 : i32 to vector<16xi32>
        %add3A_118 = arith.addi %mul3A_57, %add3A_117 : vector<16xi32>
        %gather3A_119 = tpu.vector_load_idx %arg4[%add3A_118] : memref<51200xf32, #tpu.memory_space<vmem>>[vector<16xi32>], vector<16xf32>,
        %min3A = arith.minimumf %broadcast_in_dim3A_42, %gather3A : vector<16xf32>
        %neg3A = arith.constant 0.000000e+00 : f32
        %neg3A_120 = vector.broadcast %neg3A : f32 to vector<16xf32>
        %neg3A_121 = arith.subf %neg3A_120, %gather3A : vector<16xf32>
        %min3A_122 = arith.minimumf %broadcast_in_dim3A_42, %neg3A_121 : vector<16xf32>
        %min3A_123 = arith.minimumf %min3A, %gather3A_67 : vector<16xf32>
        %neg3A_124 = arith.constant 0.000000e+00 : f32
        %neg3A_125 = vector.broadcast %neg3A_124 : f32 to vector<16xf32>
        %neg3A_126 = arith.subf %neg3A_125, %gather3A_67 : vector<16xf32>
        %min3A_127 = arith.minimumf %min3A, %neg3A_126 : vector<16xf32>
        %min3A_128 = arith.minimumf %min3A_122, %gather3A_71 : vector<16xf32>
        %neg3A_129 = arith.constant 0.000000e+00 : f32
        %neg3A_130 = vector.broadcast %neg3A_129 : f32 to vector<16xf32>
        %neg3A_131 = arith.subf %neg3A_130, %gather3A_71 : vector<16xf32>
        %min3A_132 = arith.minimumf %min3A_122, %neg3A_131 : vector<16xf32>
        %min3A_133 = arith.minimumf %min3A_123, %gather3A_75 : vector<16xf32>
        %neg3A_134 = arith.constant 0.000000e+00 : f32
        %neg3A_135 = vector.broadcast %neg3A_134 : f32 to vector<16xf32>
        %neg3A_136 = arith.subf %neg3A_135, %gather3A_75 : vector<16xf32>
        %min3A_137 = arith.minimumf %min3A_123, %neg3A_136 : vector<16xf32>
        %min3A_138 = arith.minimumf %min3A_127, %gather3A_79 : vector<16xf32>
        %neg3A_139 = arith.constant 0.000000e+00 : f32
        %neg3A_140 = vector.broadcast %neg3A_139 : f32 to vector<16xf32>
        %neg3A_141 = arith.subf %neg3A_140, %gather3A_79 : vector<16xf32>
        %min3A_142 = arith.minimumf %min3A_127, %neg3A_141 : vector<16xf32>
        %min3A_143 = arith.minimumf %min3A_128, %gather3A_83 : vector<16xf32>
        %neg3A_144 = arith.constant 0.000000e+00 : f32
        %neg3A_145 = vector.broadcast %neg3A_144 : f32 to vector<16xf32>
        %neg3A_146 = arith.subf %neg3A_145, %gather3A_83 : vector<16xf32>
        %min3A_147 = arith.minimumf %min3A_128, %neg3A_146 : vector<16xf32>
        %min3A_148 = arith.minimumf %min3A_132, %gather3A_87 : vector<16xf32>
        %neg3A_149 = arith.constant 0.000000e+00 : f32
        %neg3A_150 = vector.broadcast %neg3A_149 : f32 to vector<16xf32>
        %neg3A_151 = arith.subf %neg3A_150, %gather3A_87 : vector<16xf32>
        %min3A_152 = arith.minimumf %min3A_132, %neg3A_151 : vector<16xf32>
        %min3A_153 = arith.minimumf %min3A_133, %gather3A_91 : vector<16xf32>
        %neg3A_154 = arith.constant 0.000000e+00 : f32
        %neg3A_155 = vector.broadcast %neg3A_154 : f32 to vector<16xf32>
        %neg3A_156 = arith.subf %neg3A_155, %gather3A_91 : vector<16xf32>
        %min3A_157 = arith.minimumf %min3A_133, %neg3A_156 : vector<16xf32>
        %min3A_158 = arith.minimumf %min3A_137, %gather3A_95 : vector<16xf32>
        %neg3A_159 = arith.constant 0.000000e+00 : f32
        %neg3A_160 = vector.broadcast %neg3A_159 : f32 to vector<16xf32>
        %neg3A_161 = arith.subf %neg3A_160, %gather3A_95 : vector<16xf32>
        %min3A_162 = arith.minimumf %min3A_137, %neg3A_161 : vector<16xf32>
        %min3A_163 = arith.minimumf %min3A_138, %gather3A_99 : vector<16xf32>
        %neg3A_164 = arith.constant 0.000000e+00 : f32
        %neg3A_165 = vector.broadcast %neg3A_164 : f32 to vector<16xf32>
        %neg3A_166 = arith.subf %neg3A_165, %gather3A_99 : vector<16xf32>
        %min3A_167 = arith.minimumf %min3A_138, %neg3A_166 : vector<16xf32>
        %min3A_168 = arith.minimumf %min3A_142, %gather3A_103 : vector<16xf32>
        %neg3A_169 = arith.constant 0.000000e+00 : f32
        %neg3A_170 = vector.broadcast %neg3A_169 : f32 to vector<16xf32>
        %neg3A_171 = arith.subf %neg3A_170, %gather3A_103 : vector<16xf32>
        %min3A_172 = arith.minimumf %min3A_142, %neg3A_171 : vector<16xf32>
        %min3A_173 = arith.minimumf %min3A_143, %gather3A_107 : vector<16xf32>
        %neg3A_174 = arith.constant 0.000000e+00 : f32
        %neg3A_175 = vector.broadcast %neg3A_174 : f32 to vector<16xf32>
        %neg3A_176 = arith.subf %neg3A_175, %gather3A_107 : vector<16xf32>
        %min3A_177 = arith.minimumf %min3A_143, %neg3A_176 : vector<16xf32>
        %min3A_178 = arith.minimumf %min3A_147, %gather3A_111 : vector<16xf32>
        %neg3A_179 = arith.constant 0.000000e+00 : f32
        %neg3A_180 = vector.broadcast %neg3A_179 : f32 to vector<16xf32>
        %neg3A_181 = arith.subf %neg3A_180, %gather3A_111 : vector<16xf32>
        %min3A_182 = arith.minimumf %min3A_147, %neg3A_181 : vector<16xf32>
        %min3A_183 = arith.minimumf %min3A_148, %gather3A_115 : vector<16xf32>
        %neg3A_184 = arith.constant 0.000000e+00 : f32
        %neg3A_185 = vector.broadcast %neg3A_184 : f32 to vector<16xf32>
        %neg3A_186 = arith.subf %neg3A_185, %gather3A_115 : vector<16xf32>
        %min3A_187 = arith.minimumf %min3A_148, %neg3A_186 : vector<16xf32>
        %min3A_188 = arith.minimumf %min3A_152, %gather3A_119 : vector<16xf32>
        %neg3A_189 = arith.constant 0.000000e+00 : f32
        %neg3A_190 = vector.broadcast %neg3A_189 : f32 to vector<16xf32>
        %neg3A_191 = arith.subf %neg3A_190, %gather3A_119 : vector<16xf32>
        %min3A_192 = arith.minimumf %min3A_152, %neg3A_191 : vector<16xf32>
        tpu.vector_store_idx %arg5[%mul3A_60], %broadcast_in_dim3A_42 : memref<12400xf32, #tpu.memory_space<vmem>>[vector<16xi32>], vector<16xf32>,
        %add3A_193 = arith.constant 1 : i32
        %add3A_194 = vector.broadcast %add3A_193 : i32 to vector<16xi32>
        %add3A_195 = arith.addi %mul3A_60, %add3A_194 : vector<16xi32>
        %max3A = arith.maximumf %min3A, %broadcast_in_dim3A_44 : vector<16xf32>
        tpu.vector_store_idx %arg5[%add3A_195], %max3A : memref<12400xf32, #tpu.memory_space<vmem>>[vector<16xi32>], vector<16xf32>,
        %add3A_196 = arith.constant 2 : i32
        %add3A_197 = vector.broadcast %add3A_196 : i32 to vector<16xi32>
        %add3A_198 = arith.addi %mul3A_60, %add3A_197 : vector<16xi32>
        %max3A_199 = arith.maximumf %min3A_122, %broadcast_in_dim3A_44 : vector<16xf32>
        tpu.vector_store_idx %arg5[%add3A_198], %max3A_199 : memref<12400xf32, #tpu.memory_space<vmem>>[vector<16xi32>], vector<16xf32>,
        %add3A_200 = arith.constant 3 : i32
        %add3A_201 = vector.broadcast %add3A_200 : i32 to vector<16xi32>
        %add3A_202 = arith.addi %mul3A_60, %add3A_201 : vector<16xi32>
        %max3A_203 = arith.maximumf %min3A_123, %broadcast_in_dim3A_44 : vector<16xf32>
        tpu.vector_store_idx %arg5[%add3A_202], %max3A_203 : memref<12400xf32, #tpu.memory_space<vmem>>[vector<16xi32>], vector<16xf32>,
        %add3A_204 = arith.constant 4 : i32
        %add3A_205 = vector.broadcast %add3A_204 : i32 to vector<16xi32>
        %add3A_206 = arith.addi %mul3A_60, %add3A_205 : vector<16xi32>
        %max3A_207 = arith.maximumf %min3A_127, %broadcast_in_dim3A_44 : vector<16xf32>
        tpu.vector_store_idx %arg5[%add3A_206], %max3A_207 : memref<12400xf32, #tpu.memory_space<vmem>>[vector<16xi32>], vector<16xf32>,
        %add3A_208 = arith.constant 5 : i32
        %add3A_209 = vector.broadcast %add3A_208 : i32 to vector<16xi32>
        %add3A_210 = arith.addi %mul3A_60, %add3A_209 : vector<16xi32>
        %max3A_211 = arith.maximumf %min3A_128, %broadcast_in_dim3A_44 : vector<16xf32>
        tpu.vector_store_idx %arg5[%add3A_210], %max3A_211 : memref<12400xf32, #tpu.memory_space<vmem>>[vector<16xi32>], vector<16xf32>,
        %add3A_212 = arith.constant 6 : i32
        %add3A_213 = vector.broadcast %add3A_212 : i32 to vector<16xi32>
        %add3A_214 = arith.addi %mul3A_60, %add3A_213 : vector<16xi32>
        %max3A_215 = arith.maximumf %min3A_132, %broadcast_in_dim3A_44 : vector<16xf32>
        tpu.vector_store_idx %arg5[%add3A_214], %max3A_215 : memref<12400xf32, #tpu.memory_space<vmem>>[vector<16xi32>], vector<16xf32>,
        %add3A_216 = arith.constant 7 : i32
        %add3A_217 = vector.broadcast %add3A_216 : i32 to vector<16xi32>
        %add3A_218 = arith.addi %mul3A_60, %add3A_217 : vector<16xi32>
        %max3A_219 = arith.maximumf %min3A_133, %broadcast_in_dim3A_44 : vector<16xf32>
        tpu.vector_store_idx %arg5[%add3A_218], %max3A_219 : memref<12400xf32, #tpu.memory_space<vmem>>[vector<16xi32>], vector<16xf32>,
        %add3A_220 = arith.constant 8 : i32
        %add3A_221 = vector.broadcast %add3A_220 : i32 to vector<16xi32>
        %add3A_222 = arith.addi %mul3A_60, %add3A_221 : vector<16xi32>
        %max3A_223 = arith.maximumf %min3A_137, %broadcast_in_dim3A_44 : vector<16xf32>
        tpu.vector_store_idx %arg5[%add3A_222], %max3A_223 : memref<12400xf32, #tpu.memory_space<vmem>>[vector<16xi32>], vector<16xf32>,
        %add3A_224 = arith.constant 9 : i32
        %add3A_225 = vector.broadcast %add3A_224 : i32 to vector<16xi32>
        %add3A_226 = arith.addi %mul3A_60, %add3A_225 : vector<16xi32>
        %max3A_227 = arith.maximumf %min3A_138, %broadcast_in_dim3A_44 : vector<16xf32>
        tpu.vector_store_idx %arg5[%add3A_226], %max3A_227 : memref<12400xf32, #tpu.memory_space<vmem>>[vector<16xi32>], vector<16xf32>,
        %add3A_228 = arith.constant 10 : i32
        %add3A_229 = vector.broadcast %add3A_228 : i32 to vector<16xi32>
        %add3A_230 = arith.addi %mul3A_60, %add3A_229 : vector<16xi32>
        %max3A_231 = arith.maximumf %min3A_142, %broadcast_in_dim3A_44 : vector<16xf32>
        tpu.vector_store_idx %arg5[%add3A_230], %max3A_231 : memref<12400xf32, #tpu.memory_space<vmem>>[vector<16xi32>], vector<16xf32>,
        %add3A_232 = arith.constant 11 : i32
        %add3A_233 = vector.broadcast %add3A_232 : i32 to vector<16xi32>
        %add3A_234 = arith.addi %mul3A_60, %add3A_233 : vector<16xi32>
        %max3A_235 = arith.maximumf %min3A_143, %broadcast_in_dim3A_44 : vector<16xf32>
        tpu.vector_store_idx %arg5[%add3A_234], %max3A_235 : memref<12400xf32, #tpu.memory_space<vmem>>[vector<16xi32>], vector<16xf32>,
        %add3A_236 = arith.constant 12 : i32
        %add3A_237 = vector.broadcast %add3A_236 : i32 to vector<16xi32>
        %add3A_238 = arith.addi %mul3A_60, %add3A_237 : vector<16xi32>
        %max3A_239 = arith.maximumf %min3A_147, %broadcast_in_dim3A_44 : vector<16xf32>
        tpu.vector_store_idx %arg5[%add3A_238], %max3A_239 : memref<12400xf32, #tpu.memory_space<vmem>>[vector<16xi32>], vector<16xf32>,
        %add3A_240 = arith.constant 13 : i32
        %add3A_241 = vector.broadcast %add3A_240 : i32 to vector<16xi32>
        %add3A_242 = arith.addi %mul3A_60, %add3A_241 : vector<16xi32>
        %max3A_243 = arith.maximumf %min3A_148, %broadcast_in_dim3A_44 : vector<16xf32>
        tpu.vector_store_idx %arg5[%add3A_242], %max3A_243 : memref<12400xf32, #tpu.memory_space<vmem>>[vector<16xi32>], vector<16xf32>,
        %add3A_244 = arith.constant 14 : i32
        %add3A_245 = vector.broadcast %add3A_244 : i32 to vector<16xi32>
        %add3A_246 = arith.addi %mul3A_60, %add3A_245 : vector<16xi32>
        %max3A_247 = arith.maximumf %min3A_152, %broadcast_in_dim3A_44 : vector<16xf32>
        tpu.vector_store_idx %arg5[%add3A_246], %max3A_247 : memref<12400xf32, #tpu.memory_space<vmem>>[vector<16xi32>], vector<16xf32>,
        %add3A_248 = arith.constant 15 : i32
        %add3A_249 = vector.broadcast %add3A_248 : i32 to vector<16xi32>
        %add3A_250 = arith.addi %mul3A_60, %add3A_249 : vector<16xi32>
        %max3A_251 = arith.maximumf %min3A_153, %broadcast_in_dim3A_44 : vector<16xf32>
        tpu.vector_store_idx %arg5[%add3A_250], %max3A_251 : memref<12400xf32, #tpu.memory_space<vmem>>[vector<16xi32>], vector<16xf32>,
        %add3A_252 = arith.constant 16 : i32
        %add3A_253 = vector.broadcast %add3A_252 : i32 to vector<16xi32>
        %add3A_254 = arith.addi %mul3A_60, %add3A_253 : vector<16xi32>
        %max3A_255 = arith.maximumf %min3A_157, %broadcast_in_dim3A_44 : vector<16xf32>
        tpu.vector_store_idx %arg5[%add3A_254], %max3A_255 : memref<12400xf32, #tpu.memory_space<vmem>>[vector<16xi32>], vector<16xf32>,
        %add3A_256 = arith.constant 17 : i32
        %add3A_257 = vector.broadcast %add3A_256 : i32 to vector<16xi32>
        %add3A_258 = arith.addi %mul3A_60, %add3A_257 : vector<16xi32>
        %max3A_259 = arith.maximumf %min3A_158, %broadcast_in_dim3A_44 : vector<16xf32>
        tpu.vector_store_idx %arg5[%add3A_258], %max3A_259 : memref<12400xf32, #tpu.memory_space<vmem>>[vector<16xi32>], vector<16xf32>,
        %add3A_260 = arith.constant 18 : i32
        %add3A_261 = vector.broadcast %add3A_260 : i32 to vector<16xi32>
        %add3A_262 = arith.addi %mul3A_60, %add3A_261 : vector<16xi32>
        %max3A_263 = arith.maximumf %min3A_162, %broadcast_in_dim3A_44 : vector<16xf32>
        tpu.vector_store_idx %arg5[%add3A_262], %max3A_263 : memref<12400xf32, #tpu.memory_space<vmem>>[vector<16xi32>], vector<16xf32>,
        %add3A_264 = arith.constant 19 : i32
        %add3A_265 = vector.broadcast %add3A_264 : i32 to vector<16xi32>
        %add3A_266 = arith.addi %mul3A_60, %add3A_265 : vector<16xi32>
        %max3A_267 = arith.maximumf %min3A_163, %broadcast_in_dim3A_44 : vector<16xf32>
        tpu.vector_store_idx %arg5[%add3A_266], %max3A_267 : memref<12400xf32, #tpu.memory_space<vmem>>[vector<16xi32>], vector<16xf32>,
        %add3A_268 = arith.constant 20 : i32
        %add3A_269 = vector.broadcast %add3A_268 : i32 to vector<16xi32>
        %add3A_270 = arith.addi %mul3A_60, %add3A_269 : vector<16xi32>
        %max3A_271 = arith.maximumf %min3A_167, %broadcast_in_dim3A_44 : vector<16xf32>
        tpu.vector_store_idx %arg5[%add3A_270], %max3A_271 : memref<12400xf32, #tpu.memory_space<vmem>>[vector<16xi32>], vector<16xf32>,
        %add3A_272 = arith.constant 21 : i32
        %add3A_273 = vector.broadcast %add3A_272 : i32 to vector<16xi32>
        %add3A_274 = arith.addi %mul3A_60, %add3A_273 : vector<16xi32>
        %max3A_275 = arith.maximumf %min3A_168, %broadcast_in_dim3A_44 : vector<16xf32>
        tpu.vector_store_idx %arg5[%add3A_274], %max3A_275 : memref<12400xf32, #tpu.memory_space<vmem>>[vector<16xi32>], vector<16xf32>,
        %add3A_276 = arith.constant 22 : i32
        %add3A_277 = vector.broadcast %add3A_276 : i32 to vector<16xi32>
        %add3A_278 = arith.addi %mul3A_60, %add3A_277 : vector<16xi32>
        %max3A_279 = arith.maximumf %min3A_172, %broadcast_in_dim3A_44 : vector<16xf32>
        tpu.vector_store_idx %arg5[%add3A_278], %max3A_279 : memref<12400xf32, #tpu.memory_space<vmem>>[vector<16xi32>], vector<16xf32>,
        %add3A_280 = arith.constant 23 : i32
        %add3A_281 = vector.broadcast %add3A_280 : i32 to vector<16xi32>
        %add3A_282 = arith.addi %mul3A_60, %add3A_281 : vector<16xi32>
        %max3A_283 = arith.maximumf %min3A_173, %broadcast_in_dim3A_44 : vector<16xf32>
        tpu.vector_store_idx %arg5[%add3A_282], %max3A_283 : memref<12400xf32, #tpu.memory_space<vmem>>[vector<16xi32>], vector<16xf32>,
        %add3A_284 = arith.constant 24 : i32
        %add3A_285 = vector.broadcast %add3A_284 : i32 to vector<16xi32>
        %add3A_286 = arith.addi %mul3A_60, %add3A_285 : vector<16xi32>
        %max3A_287 = arith.maximumf %min3A_177, %broadcast_in_dim3A_44 : vector<16xf32>
        tpu.vector_store_idx %arg5[%add3A_286], %max3A_287 : memref<12400xf32, #tpu.memory_space<vmem>>[vector<16xi32>], vector<16xf32>,
        %add3A_288 = arith.constant 25 : i32
        %add3A_289 = vector.broadcast %add3A_288 : i32 to vector<16xi32>
        %add3A_290 = arith.addi %mul3A_60, %add3A_289 : vector<16xi32>
        %max3A_291 = arith.maximumf %min3A_178, %broadcast_in_dim3A_44 : vector<16xf32>
        tpu.vector_store_idx %arg5[%add3A_290], %max3A_291 : memref<12400xf32, #tpu.memory_space<vmem>>[vector<16xi32>], vector<16xf32>,
        %add3A_292 = arith.constant 26 : i32
        %add3A_293 = vector.broadcast %add3A_292 : i32 to vector<16xi32>
        %add3A_294 = arith.addi %mul3A_60, %add3A_293 : vector<16xi32>
        %max3A_295 = arith.maximumf %min3A_182, %broadcast_in_dim3A_44 : vector<16xf32>
        tpu.vector_store_idx %arg5[%add3A_294], %max3A_295 : memref<12400xf32, #tpu.memory_space<vmem>>[vector<16xi32>], vector<16xf32>,
        %add3A_296 = arith.constant 27 : i32
        %add3A_297 = vector.broadcast %add3A_296 : i32 to vector<16xi32>
        %add3A_298 = arith.addi %mul3A_60, %add3A_297 : vector<16xi32>
        %max3A_299 = arith.maximumf %min3A_183, %broadcast_in_dim3A_44 : vector<16xf32>
        tpu.vector_store_idx %arg5[%add3A_298], %max3A_299 : memref<12400xf32, #tpu.memory_space<vmem>>[vector<16xi32>], vector<16xf32>,
        %add3A_300 = arith.constant 28 : i32
        %add3A_301 = vector.broadcast %add3A_300 : i32 to vector<16xi32>
        %add3A_302 = arith.addi %mul3A_60, %add3A_301 : vector<16xi32>
        %max3A_303 = arith.maximumf %min3A_187, %broadcast_in_dim3A_44 : vector<16xf32>
        tpu.vector_store_idx %arg5[%add3A_302], %max3A_303 : memref<12400xf32, #tpu.memory_space<vmem>>[vector<16xi32>], vector<16xf32>,
        %add3A_304 = arith.constant 29 : i32
        %add3A_305 = vector.broadcast %add3A_304 : i32 to vector<16xi32>
        %add3A_306 = arith.addi %mul3A_60, %add3A_305 : vector<16xi32>
        %max3A_307 = arith.maximumf %min3A_188, %broadcast_in_dim3A_44 : vector<16xf32>
        tpu.vector_store_idx %arg5[%add3A_306], %max3A_307 : memref<12400xf32, #tpu.memory_space<vmem>>[vector<16xi32>], vector<16xf32>,
        %add3A_308 = arith.constant 30 : i32
        %add3A_309 = vector.broadcast %add3A_308 : i32 to vector<16xi32>
        %add3A_310 = arith.addi %mul3A_60, %add3A_309 : vector<16xi32>
        %max3A_311 = arith.maximumf %min3A_192, %broadcast_in_dim3A_44 : vector<16xf32>
        tpu.vector_store_idx %arg5[%add3A_310], %max3A_311 : memref<12400xf32, #tpu.memory_space<vmem>>[vector<16xi32>], vector<16xf32>,
      }
      %scan3A_49 = arith.constant 25 : i32
      "tpu.region"() ({
        %run_scoped3A = tpu.sem_alloc : memref<!tpu.dma_semaphore, #tpu.memory_space<semaphore_mem>>
        %dma_start3A = arith.constant 0 : i32
        %dma_start3A_50 = tpu.memref_slice %arg3[%add3A_35, %dma_start3A] : memref<125x12400xf32, #tpu.memory_space<hbm>> -> memref<1x12400xf32, #tpu.memory_space<hbm>>
        %dma_start3A_51 = tpu.memref_squeeze %dma_start3A_50 : memref<1x12400xf32, #tpu.memory_space<hbm>> -> memref<12400xf32, #tpu.memory_space<hbm>>
        %dma_start3A_52 = arith.constant 0 : i32
        %dma_start3A_53 = tpu.memref_slice %arg3[%add3A_35, %dma_start3A_52] : memref<125x12400xf32, #tpu.memory_space<hbm>> -> memref<1x12400xf32, #tpu.memory_space<hbm>>
        %dma_start3A_54 = tpu.memref_squeeze %dma_start3A_53 : memref<1x12400xf32, #tpu.memory_space<hbm>> -> memref<12400xf32, #tpu.memory_space<hbm>>
        tpu.enqueue_dma source(%arg5 : memref<12400xf32, #tpu.memory_space<vmem>>) target(%dma_start3A_54 : memref<12400xf32, #tpu.memory_space<hbm>>) target_semaphore(%run_scoped3A : memref<!tpu.dma_semaphore, #tpu.memory_space<semaphore_mem>>)
        %dma_wait3A = arith.constant 0 : i32
        %dma_wait3A_55 = tpu.memref_slice %arg3[%add3A_35, %dma_wait3A] : memref<125x12400xf32, #tpu.memory_space<hbm>> -> memref<1x12400xf32, #tpu.memory_space<hbm>>
        %dma_wait3A_56 = tpu.memref_squeeze %dma_wait3A_55 : memref<1x12400xf32, #tpu.memory_space<hbm>> -> memref<12400xf32, #tpu.memory_space<hbm>>
        %dma_wait3A_57 = arith.constant 0 : i32
        %dma_wait3A_58 = tpu.memref_slice %arg3[%add3A_35, %dma_wait3A_57] : memref<125x12400xf32, #tpu.memory_space<hbm>> -> memref<1x12400xf32, #tpu.memory_space<hbm>>
        %dma_wait3A_59 = tpu.memref_squeeze %dma_wait3A_58 : memref<1x12400xf32, #tpu.memory_space<hbm>> -> memref<12400xf32, #tpu.memory_space<hbm>>
        tpu.wait_dma2 semaphore(%run_scoped3A : memref<!tpu.dma_semaphore, #tpu.memory_space<semaphore_mem>>) src(%arg5 : memref<12400xf32, #tpu.memory_space<vmem>>) dst(%dma_wait3A_59 : memref<12400xf32, #tpu.memory_space<hbm>>)
        tpu.yield
      }) : () -> ()
    }
    %while3A_31 = arith.constant 1 : i32
    scf.for %while3A_32 = %while3A_29 to %while3A_25 step %while3A_31  : i32 {
      %mul3A_33 = arith.constant 32 : i32
      %mul3A_34 = arith.muli %while3A_32, %mul3A_33 : i32
      %add3A_35 = arith.addi %add3A, %mul3A_34 : i32
      %mul3A_36 = arith.constant 400 : i32
      %mul3A_37 = arith.muli %add3A_35, %mul3A_36 : i32
      %mul3A_38 = arith.constant 8 : i32
      %mul3A_39 = arith.muli %mul3A_37, %mul3A_38 : i32
      %mul3A_40 = arith.constant 16 : i32
      %mul3A_41 = arith.muli %mul3A_39, %mul3A_40 : i32
      "tpu.region"() ({
        %run_scoped3A = tpu.sem_alloc : memref<!tpu.dma_semaphore, #tpu.memory_space<semaphore_mem>>
        %dma_start3A = tpu.memref_slice %arg2[%mul3A_41] : memref<6400000xf32, #tpu.memory_space<hbm>> -> memref<51200xf32, #tpu.memory_space<hbm>>
        %dma_start3A_50 = tpu.memref_slice %arg2[%mul3A_41] : memref<6400000xf32, #tpu.memory_space<hbm>> -> memref<51200xf32, #tpu.memory_space<hbm>>
        tpu.enqueue_dma source(%dma_start3A_50 : memref<51200xf32, #tpu.memory_space<hbm>>) target(%arg4 : memref<51200xf32, #tpu.memory_space<vmem>>) target_semaphore(%run_scoped3A : memref<!tpu.dma_semaphore, #tpu.memory_space<semaphore_mem>>)
        %dma_wait3A = tpu.memref_slice %arg2[%mul3A_41] : memref<6400000xf32, #tpu.memory_space<hbm>> -> memref<51200xf32, #tpu.memory_space<hbm>>
        %dma_wait3A_51 = tpu.memref_slice %arg2[%mul3A_41] : memref<6400000xf32, #tpu.memory_space<hbm>> -> memref<51200xf32, #tpu.memory_space<hbm>>
        tpu.wait_dma2 semaphore(%run_scoped3A : memref<!tpu.dma_semaphore, #tpu.memory_space<semaphore_mem>>) src(%dma_wait3A_51 : memref<51200xf32, #tpu.memory_space<hbm>>) dst(%arg4 : memref<51200xf32, #tpu.memory_space<vmem>>)
        tpu.yield
      }) : () -> ()
      %iota3A = tpu.iota {dimensions = array<i32: 0>} : vector<16xi32>
      %broadcast_in_dim3A = arith.constant 1.000000e+00 : f32
      %broadcast_in_dim3A_42 = vector.broadcast %broadcast_in_dim3A : f32 to vector<16xf32>
      %broadcast_in_dim3A_43 = arith.constant 0.000000e+00 : f32
      %broadcast_in_dim3A_44 = vector.broadcast %broadcast_in_dim3A_43 : f32 to vector<16xf32>
      %scan3A = arith.constant 0 : i32
      %scan3A_45 = arith.constant 0 : i32
      %scan3A_46 = arith.constant 25 : i32
      %scan3A_47 = arith.addi %scan3A_45, %scan3A_46 : i32
      %scan3A_48 = arith.constant 1 : i32
      scf.for %scan3A_50 = %scan3A_45 to %scan3A_47 step %scan3A_48  : i32 {
        %mul3A_51 = arith.constant 16 : i32
        %mul3A_52 = arith.muli %scan3A_50, %mul3A_51 : i32
        %add3A_53 = vector.broadcast %mul3A_52 : i32 to vector<16xi32>
        %add3A_54 = arith.addi %add3A_53, %iota3A : vector<16xi32>
        %mul3A_55 = arith.constant 128 : i32
        %mul3A_56 = vector.broadcast %mul3A_55 : i32 to vector<16xi32>
        %mul3A_57 = arith.muli %add3A_54, %mul3A_56 : vector<16xi32>
        %mul3A_58 = arith.constant 31 : i32
        %mul3A_59 = vector.broadcast %mul3A_58 : i32 to vector<16xi32>
        %mul3A_60 = arith.muli %add3A_54, %mul3A_59 : vector<16xi32>
        %add3A_61 = arith.constant 0 : i32
        %add3A_62 = vector.broadcast %add3A_61 : i32 to vector<16xi32>
        %add3A_63 = arith.addi %mul3A_57, %add3A_62 : vector<16xi32>
        %gather3A = tpu.vector_load_idx %arg4[%add3A_63] : memref<51200xf32, #tpu.memory_space<vmem>>[vector<16xi32>], vector<16xf32>,
        %add3A_64 = arith.constant 1 : i32
        %add3A_65 = vector.broadcast %add3A_64 : i32 to vector<16xi32>
        %add3A_66 = arith.addi %mul3A_57, %add3A_65 : vector<16xi32>
        %gather3A_67 = tpu.vector_load_idx %arg4[%add3A_66] : memref<51200xf32, #tpu.memory_space<vmem>>[vector<16xi32>], vector<16xf32>,
        %add3A_68 = arith.constant 2 : i32
        %add3A_69 = vector.broadcast %add3A_68 : i32 to vector<16xi32>
        %add3A_70 = arith.addi %mul3A_57, %add3A_69 : vector<16xi32>
        %gather3A_71 = tpu.vector_load_idx %arg4[%add3A_70] : memref<51200xf32, #tpu.memory_space<vmem>>[vector<16xi32>], vector<16xf32>,
        %add3A_72 = arith.constant 3 : i32
        %add3A_73 = vector.broadcast %add3A_72 : i32 to vector<16xi32>
        %add3A_74 = arith.addi %mul3A_57, %add3A_73 : vector<16xi32>
        %gather3A_75 = tpu.vector_load_idx %arg4[%add3A_74] : memref<51200xf32, #tpu.memory_space<vmem>>[vector<16xi32>], vector<16xf32>,
        %add3A_76 = arith.constant 4 : i32
        %add3A_77 = vector.broadcast %add3A_76 : i32 to vector<16xi32>
        %add3A_78 = arith.addi %mul3A_57, %add3A_77 : vector<16xi32>
        %gather3A_79 = tpu.vector_load_idx %arg4[%add3A_78] : memref<51200xf32, #tpu.memory_space<vmem>>[vector<16xi32>], vector<16xf32>,
        %add3A_80 = arith.constant 5 : i32
        %add3A_81 = vector.broadcast %add3A_80 : i32 to vector<16xi32>
        %add3A_82 = arith.addi %mul3A_57, %add3A_81 : vector<16xi32>
        %gather3A_83 = tpu.vector_load_idx %arg4[%add3A_82] : memref<51200xf32, #tpu.memory_space<vmem>>[vector<16xi32>], vector<16xf32>,
        %add3A_84 = arith.constant 6 : i32
        %add3A_85 = vector.broadcast %add3A_84 : i32 to vector<16xi32>
        %add3A_86 = arith.addi %mul3A_57, %add3A_85 : vector<16xi32>
        %gather3A_87 = tpu.vector_load_idx %arg4[%add3A_86] : memref<51200xf32, #tpu.memory_space<vmem>>[vector<16xi32>], vector<16xf32>,
        %add3A_88 = arith.constant 7 : i32
        %add3A_89 = vector.broadcast %add3A_88 : i32 to vector<16xi32>
        %add3A_90 = arith.addi %mul3A_57, %add3A_89 : vector<16xi32>
        %gather3A_91 = tpu.vector_load_idx %arg4[%add3A_90] : memref<51200xf32, #tpu.memory_space<vmem>>[vector<16xi32>], vector<16xf32>,
        %add3A_92 = arith.constant 8 : i32
        %add3A_93 = vector.broadcast %add3A_92 : i32 to vector<16xi32>
        %add3A_94 = arith.addi %mul3A_57, %add3A_93 : vector<16xi32>
        %gather3A_95 = tpu.vector_load_idx %arg4[%add3A_94] : memref<51200xf32, #tpu.memory_space<vmem>>[vector<16xi32>], vector<16xf32>,
        %add3A_96 = arith.constant 9 : i32
        %add3A_97 = vector.broadcast %add3A_96 : i32 to vector<16xi32>
        %add3A_98 = arith.addi %mul3A_57, %add3A_97 : vector<16xi32>
        %gather3A_99 = tpu.vector_load_idx %arg4[%add3A_98] : memref<51200xf32, #tpu.memory_space<vmem>>[vector<16xi32>], vector<16xf32>,
        %add3A_100 = arith.constant 10 : i32
        %add3A_101 = vector.broadcast %add3A_100 : i32 to vector<16xi32>
        %add3A_102 = arith.addi %mul3A_57, %add3A_101 : vector<16xi32>
        %gather3A_103 = tpu.vector_load_idx %arg4[%add3A_102] : memref<51200xf32, #tpu.memory_space<vmem>>[vector<16xi32>], vector<16xf32>,
        %add3A_104 = arith.constant 11 : i32
        %add3A_105 = vector.broadcast %add3A_104 : i32 to vector<16xi32>
        %add3A_106 = arith.addi %mul3A_57, %add3A_105 : vector<16xi32>
        %gather3A_107 = tpu.vector_load_idx %arg4[%add3A_106] : memref<51200xf32, #tpu.memory_space<vmem>>[vector<16xi32>], vector<16xf32>,
        %add3A_108 = arith.constant 12 : i32
        %add3A_109 = vector.broadcast %add3A_108 : i32 to vector<16xi32>
        %add3A_110 = arith.addi %mul3A_57, %add3A_109 : vector<16xi32>
        %gather3A_111 = tpu.vector_load_idx %arg4[%add3A_110] : memref<51200xf32, #tpu.memory_space<vmem>>[vector<16xi32>], vector<16xf32>,
        %add3A_112 = arith.constant 13 : i32
        %add3A_113 = vector.broadcast %add3A_112 : i32 to vector<16xi32>
        %add3A_114 = arith.addi %mul3A_57, %add3A_113 : vector<16xi32>
        %gather3A_115 = tpu.vector_load_idx %arg4[%add3A_114] : memref<51200xf32, #tpu.memory_space<vmem>>[vector<16xi32>], vector<16xf32>,
        %add3A_116 = arith.constant 14 : i32
        %add3A_117 = vector.broadcast %add3A_116 : i32 to vector<16xi32>
        %add3A_118 = arith.addi %mul3A_57, %add3A_117 : vector<16xi32>
        %gather3A_119 = tpu.vector_load_idx %arg4[%add3A_118] : memref<51200xf32, #tpu.memory_space<vmem>>[vector<16xi32>], vector<16xf32>,
        %min3A = arith.minimumf %broadcast_in_dim3A_42, %gather3A : vector<16xf32>
        %neg3A = arith.constant 0.000000e+00 : f32
        %neg3A_120 = vector.broadcast %neg3A : f32 to vector<16xf32>
        %neg3A_121 = arith.subf %neg3A_120, %gather3A : vector<16xf32>
        %min3A_122 = arith.minimumf %broadcast_in_dim3A_42, %neg3A_121 : vector<16xf32>
        %min3A_123 = arith.minimumf %min3A, %gather3A_67 : vector<16xf32>
        %neg3A_124 = arith.constant 0.000000e+00 : f32
        %neg3A_125 = vector.broadcast %neg3A_124 : f32 to vector<16xf32>
        %neg3A_126 = arith.subf %neg3A_125, %gather3A_67 : vector<16xf32>
        %min3A_127 = arith.minimumf %min3A, %neg3A_126 : vector<16xf32>
        %min3A_128 = arith.minimumf %min3A_122, %gather3A_71 : vector<16xf32>
        %neg3A_129 = arith.constant 0.000000e+00 : f32
        %neg3A_130 = vector.broadcast %neg3A_129 : f32 to vector<16xf32>
        %neg3A_131 = arith.subf %neg3A_130, %gather3A_71 : vector<16xf32>
        %min3A_132 = arith.minimumf %min3A_122, %neg3A_131 : vector<16xf32>
        %min3A_133 = arith.minimumf %min3A_123, %gather3A_75 : vector<16xf32>
        %neg3A_134 = arith.constant 0.000000e+00 : f32
        %neg3A_135 = vector.broadcast %neg3A_134 : f32 to vector<16xf32>
        %neg3A_136 = arith.subf %neg3A_135, %gather3A_75 : vector<16xf32>
        %min3A_137 = arith.minimumf %min3A_123, %neg3A_136 : vector<16xf32>
        %min3A_138 = arith.minimumf %min3A_127, %gather3A_79 : vector<16xf32>
        %neg3A_139 = arith.constant 0.000000e+00 : f32
        %neg3A_140 = vector.broadcast %neg3A_139 : f32 to vector<16xf32>
        %neg3A_141 = arith.subf %neg3A_140, %gather3A_79 : vector<16xf32>
        %min3A_142 = arith.minimumf %min3A_127, %neg3A_141 : vector<16xf32>
        %min3A_143 = arith.minimumf %min3A_128, %gather3A_83 : vector<16xf32>
        %neg3A_144 = arith.constant 0.000000e+00 : f32
        %neg3A_145 = vector.broadcast %neg3A_144 : f32 to vector<16xf32>
        %neg3A_146 = arith.subf %neg3A_145, %gather3A_83 : vector<16xf32>
        %min3A_147 = arith.minimumf %min3A_128, %neg3A_146 : vector<16xf32>
        %min3A_148 = arith.minimumf %min3A_132, %gather3A_87 : vector<16xf32>
        %neg3A_149 = arith.constant 0.000000e+00 : f32
        %neg3A_150 = vector.broadcast %neg3A_149 : f32 to vector<16xf32>
        %neg3A_151 = arith.subf %neg3A_150, %gather3A_87 : vector<16xf32>
        %min3A_152 = arith.minimumf %min3A_132, %neg3A_151 : vector<16xf32>
        %min3A_153 = arith.minimumf %min3A_133, %gather3A_91 : vector<16xf32>
        %neg3A_154 = arith.constant 0.000000e+00 : f32
        %neg3A_155 = vector.broadcast %neg3A_154 : f32 to vector<16xf32>
        %neg3A_156 = arith.subf %neg3A_155, %gather3A_91 : vector<16xf32>
        %min3A_157 = arith.minimumf %min3A_133, %neg3A_156 : vector<16xf32>
        %min3A_158 = arith.minimumf %min3A_137, %gather3A_95 : vector<16xf32>
        %neg3A_159 = arith.constant 0.000000e+00 : f32
        %neg3A_160 = vector.broadcast %neg3A_159 : f32 to vector<16xf32>
        %neg3A_161 = arith.subf %neg3A_160, %gather3A_95 : vector<16xf32>
        %min3A_162 = arith.minimumf %min3A_137, %neg3A_161 : vector<16xf32>
        %min3A_163 = arith.minimumf %min3A_138, %gather3A_99 : vector<16xf32>
        %neg3A_164 = arith.constant 0.000000e+00 : f32
        %neg3A_165 = vector.broadcast %neg3A_164 : f32 to vector<16xf32>
        %neg3A_166 = arith.subf %neg3A_165, %gather3A_99 : vector<16xf32>
        %min3A_167 = arith.minimumf %min3A_138, %neg3A_166 : vector<16xf32>
        %min3A_168 = arith.minimumf %min3A_142, %gather3A_103 : vector<16xf32>
        %neg3A_169 = arith.constant 0.000000e+00 : f32
        %neg3A_170 = vector.broadcast %neg3A_169 : f32 to vector<16xf32>
        %neg3A_171 = arith.subf %neg3A_170, %gather3A_103 : vector<16xf32>
        %min3A_172 = arith.minimumf %min3A_142, %neg3A_171 : vector<16xf32>
        %min3A_173 = arith.minimumf %min3A_143, %gather3A_107 : vector<16xf32>
        %neg3A_174 = arith.constant 0.000000e+00 : f32
        %neg3A_175 = vector.broadcast %neg3A_174 : f32 to vector<16xf32>
        %neg3A_176 = arith.subf %neg3A_175, %gather3A_107 : vector<16xf32>
        %min3A_177 = arith.minimumf %min3A_143, %neg3A_176 : vector<16xf32>
        %min3A_178 = arith.minimumf %min3A_147, %gather3A_111 : vector<16xf32>
        %neg3A_179 = arith.constant 0.000000e+00 : f32
        %neg3A_180 = vector.broadcast %neg3A_179 : f32 to vector<16xf32>
        %neg3A_181 = arith.subf %neg3A_180, %gather3A_111 : vector<16xf32>
        %min3A_182 = arith.minimumf %min3A_147, %neg3A_181 : vector<16xf32>
        %min3A_183 = arith.minimumf %min3A_148, %gather3A_115 : vector<16xf32>
        %neg3A_184 = arith.constant 0.000000e+00 : f32
        %neg3A_185 = vector.broadcast %neg3A_184 : f32 to vector<16xf32>
        %neg3A_186 = arith.subf %neg3A_185, %gather3A_115 : vector<16xf32>
        %min3A_187 = arith.minimumf %min3A_148, %neg3A_186 : vector<16xf32>
        %min3A_188 = arith.minimumf %min3A_152, %gather3A_119 : vector<16xf32>
        %neg3A_189 = arith.constant 0.000000e+00 : f32
        %neg3A_190 = vector.broadcast %neg3A_189 : f32 to vector<16xf32>
        %neg3A_191 = arith.subf %neg3A_190, %gather3A_119 : vector<16xf32>
        %min3A_192 = arith.minimumf %min3A_152, %neg3A_191 : vector<16xf32>
        tpu.vector_store_idx %arg5[%mul3A_60], %broadcast_in_dim3A_42 : memref<12400xf32, #tpu.memory_space<vmem>>[vector<16xi32>], vector<16xf32>,
        %add3A_193 = arith.constant 1 : i32
        %add3A_194 = vector.broadcast %add3A_193 : i32 to vector<16xi32>
        %add3A_195 = arith.addi %mul3A_60, %add3A_194 : vector<16xi32>
        %max3A = arith.maximumf %min3A, %broadcast_in_dim3A_44 : vector<16xf32>
        tpu.vector_store_idx %arg5[%add3A_195], %max3A : memref<12400xf32, #tpu.memory_space<vmem>>[vector<16xi32>], vector<16xf32>,
        %add3A_196 = arith.constant 2 : i32
        %add3A_197 = vector.broadcast %add3A_196 : i32 to vector<16xi32>
        %add3A_198 = arith.addi %mul3A_60, %add3A_197 : vector<16xi32>
        %max3A_199 = arith.maximumf %min3A_122, %broadcast_in_dim3A_44 : vector<16xf32>
        tpu.vector_store_idx %arg5[%add3A_198], %max3A_199 : memref<12400xf32, #tpu.memory_space<vmem>>[vector<16xi32>], vector<16xf32>,
        %add3A_200 = arith.constant 3 : i32
        %add3A_201 = vector.broadcast %add3A_200 : i32 to vector<16xi32>
        %add3A_202 = arith.addi %mul3A_60, %add3A_201 : vector<16xi32>
        %max3A_203 = arith.maximumf %min3A_123, %broadcast_in_dim3A_44 : vector<16xf32>
        tpu.vector_store_idx %arg5[%add3A_202], %max3A_203 : memref<12400xf32, #tpu.memory_space<vmem>>[vector<16xi32>], vector<16xf32>,
        %add3A_204 = arith.constant 4 : i32
        %add3A_205 = vector.broadcast %add3A_204 : i32 to vector<16xi32>
        %add3A_206 = arith.addi %mul3A_60, %add3A_205 : vector<16xi32>
        %max3A_207 = arith.maximumf %min3A_127, %broadcast_in_dim3A_44 : vector<16xf32>
        tpu.vector_store_idx %arg5[%add3A_206], %max3A_207 : memref<12400xf32, #tpu.memory_space<vmem>>[vector<16xi32>], vector<16xf32>,
        %add3A_208 = arith.constant 5 : i32
        %add3A_209 = vector.broadcast %add3A_208 : i32 to vector<16xi32>
        %add3A_210 = arith.addi %mul3A_60, %add3A_209 : vector<16xi32>
        %max3A_211 = arith.maximumf %min3A_128, %broadcast_in_dim3A_44 : vector<16xf32>
        tpu.vector_store_idx %arg5[%add3A_210], %max3A_211 : memref<12400xf32, #tpu.memory_space<vmem>>[vector<16xi32>], vector<16xf32>,
        %add3A_212 = arith.constant 6 : i32
        %add3A_213 = vector.broadcast %add3A_212 : i32 to vector<16xi32>
        %add3A_214 = arith.addi %mul3A_60, %add3A_213 : vector<16xi32>
        %max3A_215 = arith.maximumf %min3A_132, %broadcast_in_dim3A_44 : vector<16xf32>
        tpu.vector_store_idx %arg5[%add3A_214], %max3A_215 : memref<12400xf32, #tpu.memory_space<vmem>>[vector<16xi32>], vector<16xf32>,
        %add3A_216 = arith.constant 7 : i32
        %add3A_217 = vector.broadcast %add3A_216 : i32 to vector<16xi32>
        %add3A_218 = arith.addi %mul3A_60, %add3A_217 : vector<16xi32>
        %max3A_219 = arith.maximumf %min3A_133, %broadcast_in_dim3A_44 : vector<16xf32>
        tpu.vector_store_idx %arg5[%add3A_218], %max3A_219 : memref<12400xf32, #tpu.memory_space<vmem>>[vector<16xi32>], vector<16xf32>,
        %add3A_220 = arith.constant 8 : i32
        %add3A_221 = vector.broadcast %add3A_220 : i32 to vector<16xi32>
        %add3A_222 = arith.addi %mul3A_60, %add3A_221 : vector<16xi32>
        %max3A_223 = arith.maximumf %min3A_137, %broadcast_in_dim3A_44 : vector<16xf32>
        tpu.vector_store_idx %arg5[%add3A_222], %max3A_223 : memref<12400xf32, #tpu.memory_space<vmem>>[vector<16xi32>], vector<16xf32>,
        %add3A_224 = arith.constant 9 : i32
        %add3A_225 = vector.broadcast %add3A_224 : i32 to vector<16xi32>
        %add3A_226 = arith.addi %mul3A_60, %add3A_225 : vector<16xi32>
        %max3A_227 = arith.maximumf %min3A_138, %broadcast_in_dim3A_44 : vector<16xf32>
        tpu.vector_store_idx %arg5[%add3A_226], %max3A_227 : memref<12400xf32, #tpu.memory_space<vmem>>[vector<16xi32>], vector<16xf32>,
        %add3A_228 = arith.constant 10 : i32
        %add3A_229 = vector.broadcast %add3A_228 : i32 to vector<16xi32>
        %add3A_230 = arith.addi %mul3A_60, %add3A_229 : vector<16xi32>
        %max3A_231 = arith.maximumf %min3A_142, %broadcast_in_dim3A_44 : vector<16xf32>
        tpu.vector_store_idx %arg5[%add3A_230], %max3A_231 : memref<12400xf32, #tpu.memory_space<vmem>>[vector<16xi32>], vector<16xf32>,
        %add3A_232 = arith.constant 11 : i32
        %add3A_233 = vector.broadcast %add3A_232 : i32 to vector<16xi32>
        %add3A_234 = arith.addi %mul3A_60, %add3A_233 : vector<16xi32>
        %max3A_235 = arith.maximumf %min3A_143, %broadcast_in_dim3A_44 : vector<16xf32>
        tpu.vector_store_idx %arg5[%add3A_234], %max3A_235 : memref<12400xf32, #tpu.memory_space<vmem>>[vector<16xi32>], vector<16xf32>,
        %add3A_236 = arith.constant 12 : i32
        %add3A_237 = vector.broadcast %add3A_236 : i32 to vector<16xi32>
        %add3A_238 = arith.addi %mul3A_60, %add3A_237 : vector<16xi32>
        %max3A_239 = arith.maximumf %min3A_147, %broadcast_in_dim3A_44 : vector<16xf32>
        tpu.vector_store_idx %arg5[%add3A_238], %max3A_239 : memref<12400xf32, #tpu.memory_space<vmem>>[vector<16xi32>], vector<16xf32>,
        %add3A_240 = arith.constant 13 : i32
        %add3A_241 = vector.broadcast %add3A_240 : i32 to vector<16xi32>
        %add3A_242 = arith.addi %mul3A_60, %add3A_241 : vector<16xi32>
        %max3A_243 = arith.maximumf %min3A_148, %broadcast_in_dim3A_44 : vector<16xf32>
        tpu.vector_store_idx %arg5[%add3A_242], %max3A_243 : memref<12400xf32, #tpu.memory_space<vmem>>[vector<16xi32>], vector<16xf32>,
        %add3A_244 = arith.constant 14 : i32
        %add3A_245 = vector.broadcast %add3A_244 : i32 to vector<16xi32>
        %add3A_246 = arith.addi %mul3A_60, %add3A_245 : vector<16xi32>
        %max3A_247 = arith.maximumf %min3A_152, %broadcast_in_dim3A_44 : vector<16xf32>
        tpu.vector_store_idx %arg5[%add3A_246], %max3A_247 : memref<12400xf32, #tpu.memory_space<vmem>>[vector<16xi32>], vector<16xf32>,
        %add3A_248 = arith.constant 15 : i32
        %add3A_249 = vector.broadcast %add3A_248 : i32 to vector<16xi32>
        %add3A_250 = arith.addi %mul3A_60, %add3A_249 : vector<16xi32>
        %max3A_251 = arith.maximumf %min3A_153, %broadcast_in_dim3A_44 : vector<16xf32>
        tpu.vector_store_idx %arg5[%add3A_250], %max3A_251 : memref<12400xf32, #tpu.memory_space<vmem>>[vector<16xi32>], vector<16xf32>,
        %add3A_252 = arith.constant 16 : i32
        %add3A_253 = vector.broadcast %add3A_252 : i32 to vector<16xi32>
        %add3A_254 = arith.addi %mul3A_60, %add3A_253 : vector<16xi32>
        %max3A_255 = arith.maximumf %min3A_157, %broadcast_in_dim3A_44 : vector<16xf32>
        tpu.vector_store_idx %arg5[%add3A_254], %max3A_255 : memref<12400xf32, #tpu.memory_space<vmem>>[vector<16xi32>], vector<16xf32>,
        %add3A_256 = arith.constant 17 : i32
        %add3A_257 = vector.broadcast %add3A_256 : i32 to vector<16xi32>
        %add3A_258 = arith.addi %mul3A_60, %add3A_257 : vector<16xi32>
        %max3A_259 = arith.maximumf %min3A_158, %broadcast_in_dim3A_44 : vector<16xf32>
        tpu.vector_store_idx %arg5[%add3A_258], %max3A_259 : memref<12400xf32, #tpu.memory_space<vmem>>[vector<16xi32>], vector<16xf32>,
        %add3A_260 = arith.constant 18 : i32
        %add3A_261 = vector.broadcast %add3A_260 : i32 to vector<16xi32>
        %add3A_262 = arith.addi %mul3A_60, %add3A_261 : vector<16xi32>
        %max3A_263 = arith.maximumf %min3A_162, %broadcast_in_dim3A_44 : vector<16xf32>
        tpu.vector_store_idx %arg5[%add3A_262], %max3A_263 : memref<12400xf32, #tpu.memory_space<vmem>>[vector<16xi32>], vector<16xf32>,
        %add3A_264 = arith.constant 19 : i32
        %add3A_265 = vector.broadcast %add3A_264 : i32 to vector<16xi32>
        %add3A_266 = arith.addi %mul3A_60, %add3A_265 : vector<16xi32>
        %max3A_267 = arith.maximumf %min3A_163, %broadcast_in_dim3A_44 : vector<16xf32>
        tpu.vector_store_idx %arg5[%add3A_266], %max3A_267 : memref<12400xf32, #tpu.memory_space<vmem>>[vector<16xi32>], vector<16xf32>,
        %add3A_268 = arith.constant 20 : i32
        %add3A_269 = vector.broadcast %add3A_268 : i32 to vector<16xi32>
        %add3A_270 = arith.addi %mul3A_60, %add3A_269 : vector<16xi32>
        %max3A_271 = arith.maximumf %min3A_167, %broadcast_in_dim3A_44 : vector<16xf32>
        tpu.vector_store_idx %arg5[%add3A_270], %max3A_271 : memref<12400xf32, #tpu.memory_space<vmem>>[vector<16xi32>], vector<16xf32>,
        %add3A_272 = arith.constant 21 : i32
        %add3A_273 = vector.broadcast %add3A_272 : i32 to vector<16xi32>
        %add3A_274 = arith.addi %mul3A_60, %add3A_273 : vector<16xi32>
        %max3A_275 = arith.maximumf %min3A_168, %broadcast_in_dim3A_44 : vector<16xf32>
        tpu.vector_store_idx %arg5[%add3A_274], %max3A_275 : memref<12400xf32, #tpu.memory_space<vmem>>[vector<16xi32>], vector<16xf32>,
        %add3A_276 = arith.constant 22 : i32
        %add3A_277 = vector.broadcast %add3A_276 : i32 to vector<16xi32>
        %add3A_278 = arith.addi %mul3A_60, %add3A_277 : vector<16xi32>
        %max3A_279 = arith.maximumf %min3A_172, %broadcast_in_dim3A_44 : vector<16xf32>
        tpu.vector_store_idx %arg5[%add3A_278], %max3A_279 : memref<12400xf32, #tpu.memory_space<vmem>>[vector<16xi32>], vector<16xf32>,
        %add3A_280 = arith.constant 23 : i32
        %add3A_281 = vector.broadcast %add3A_280 : i32 to vector<16xi32>
        %add3A_282 = arith.addi %mul3A_60, %add3A_281 : vector<16xi32>
        %max3A_283 = arith.maximumf %min3A_173, %broadcast_in_dim3A_44 : vector<16xf32>
        tpu.vector_store_idx %arg5[%add3A_282], %max3A_283 : memref<12400xf32, #tpu.memory_space<vmem>>[vector<16xi32>], vector<16xf32>,
        %add3A_284 = arith.constant 24 : i32
        %add3A_285 = vector.broadcast %add3A_284 : i32 to vector<16xi32>
        %add3A_286 = arith.addi %mul3A_60, %add3A_285 : vector<16xi32>
        %max3A_287 = arith.maximumf %min3A_177, %broadcast_in_dim3A_44 : vector<16xf32>
        tpu.vector_store_idx %arg5[%add3A_286], %max3A_287 : memref<12400xf32, #tpu.memory_space<vmem>>[vector<16xi32>], vector<16xf32>,
        %add3A_288 = arith.constant 25 : i32
        %add3A_289 = vector.broadcast %add3A_288 : i32 to vector<16xi32>
        %add3A_290 = arith.addi %mul3A_60, %add3A_289 : vector<16xi32>
        %max3A_291 = arith.maximumf %min3A_178, %broadcast_in_dim3A_44 : vector<16xf32>
        tpu.vector_store_idx %arg5[%add3A_290], %max3A_291 : memref<12400xf32, #tpu.memory_space<vmem>>[vector<16xi32>], vector<16xf32>,
        %add3A_292 = arith.constant 26 : i32
        %add3A_293 = vector.broadcast %add3A_292 : i32 to vector<16xi32>
        %add3A_294 = arith.addi %mul3A_60, %add3A_293 : vector<16xi32>
        %max3A_295 = arith.maximumf %min3A_182, %broadcast_in_dim3A_44 : vector<16xf32>
        tpu.vector_store_idx %arg5[%add3A_294], %max3A_295 : memref<12400xf32, #tpu.memory_space<vmem>>[vector<16xi32>], vector<16xf32>,
        %add3A_296 = arith.constant 27 : i32
        %add3A_297 = vector.broadcast %add3A_296 : i32 to vector<16xi32>
        %add3A_298 = arith.addi %mul3A_60, %add3A_297 : vector<16xi32>
        %max3A_299 = arith.maximumf %min3A_183, %broadcast_in_dim3A_44 : vector<16xf32>
        tpu.vector_store_idx %arg5[%add3A_298], %max3A_299 : memref<12400xf32, #tpu.memory_space<vmem>>[vector<16xi32>], vector<16xf32>,
        %add3A_300 = arith.constant 28 : i32
        %add3A_301 = vector.broadcast %add3A_300 : i32 to vector<16xi32>
        %add3A_302 = arith.addi %mul3A_60, %add3A_301 : vector<16xi32>
        %max3A_303 = arith.maximumf %min3A_187, %broadcast_in_dim3A_44 : vector<16xf32>
        tpu.vector_store_idx %arg5[%add3A_302], %max3A_303 : memref<12400xf32, #tpu.memory_space<vmem>>[vector<16xi32>], vector<16xf32>,
        %add3A_304 = arith.constant 29 : i32
        %add3A_305 = vector.broadcast %add3A_304 : i32 to vector<16xi32>
        %add3A_306 = arith.addi %mul3A_60, %add3A_305 : vector<16xi32>
        %max3A_307 = arith.maximumf %min3A_188, %broadcast_in_dim3A_44 : vector<16xf32>
        tpu.vector_store_idx %arg5[%add3A_306], %max3A_307 : memref<12400xf32, #tpu.memory_space<vmem>>[vector<16xi32>], vector<16xf32>,
        %add3A_308 = arith.constant 30 : i32
        %add3A_309 = vector.broadcast %add3A_308 : i32 to vector<16xi32>
        %add3A_310 = arith.addi %mul3A_60, %add3A_309 : vector<16xi32>
        %max3A_311 = arith.maximumf %min3A_192, %broadcast_in_dim3A_44 : vector<16xf32>
        tpu.vector_store_idx %arg5[%add3A_310], %max3A_311 : memref<12400xf32, #tpu.memory_space<vmem>>[vector<16xi32>], vector<16xf32>,
      }
      %scan3A_49 = arith.constant 25 : i32
      "tpu.region"() ({
        %run_scoped3A = tpu.sem_alloc : memref<!tpu.dma_semaphore, #tpu.memory_space<semaphore_mem>>
        %dma_start3A = arith.constant 0 : i32
        %dma_start3A_50 = tpu.memref_slice %arg3[%add3A_35, %dma_start3A] : memref<125x12400xf32, #tpu.memory_space<hbm>> -> memref<1x12400xf32, #tpu.memory_space<hbm>>
        %dma_start3A_51 = tpu.memref_squeeze %dma_start3A_50 : memref<1x12400xf32, #tpu.memory_space<hbm>> -> memref<12400xf32, #tpu.memory_space<hbm>>
        %dma_start3A_52 = arith.constant 0 : i32
        %dma_start3A_53 = tpu.memref_slice %arg3[%add3A_35, %dma_start3A_52] : memref<125x12400xf32, #tpu.memory_space<hbm>> -> memref<1x12400xf32, #tpu.memory_space<hbm>>
        %dma_start3A_54 = tpu.memref_squeeze %dma_start3A_53 : memref<1x12400xf32, #tpu.memory_space<hbm>> -> memref<12400xf32, #tpu.memory_space<hbm>>
        tpu.enqueue_dma source(%arg5 : memref<12400xf32, #tpu.memory_space<vmem>>) target(%dma_start3A_54 : memref<12400xf32, #tpu.memory_space<hbm>>) target_semaphore(%run_scoped3A : memref<!tpu.dma_semaphore, #tpu.memory_space<semaphore_mem>>)
        %dma_wait3A = arith.constant 0 : i32
        %dma_wait3A_55 = tpu.memref_slice %arg3[%add3A_35, %dma_wait3A] : memref<125x12400xf32, #tpu.memory_space<hbm>> -> memref<1x12400xf32, #tpu.memory_space<hbm>>
        %dma_wait3A_56 = tpu.memref_squeeze %dma_wait3A_55 : memref<1x12400xf32, #tpu.memory_space<hbm>> -> memref<12400xf32, #tpu.memory_space<hbm>>
        %dma_wait3A_57 = arith.constant 0 : i32
        %dma_wait3A_58 = tpu.memref_slice %arg3[%add3A_35, %dma_wait3A_57] : memref<125x12400xf32, #tpu.memory_space<hbm>> -> memref<1x12400xf32, #tpu.memory_space<hbm>>
        %dma_wait3A_59 = tpu.memref_squeeze %dma_wait3A_58 : memref<1x12400xf32, #tpu.memory_space<hbm>> -> memref<12400xf32, #tpu.memory_space<hbm>>
        tpu.wait_dma2 semaphore(%run_scoped3A : memref<!tpu.dma_semaphore, #tpu.memory_space<semaphore_mem>>) src(%arg5 : memref<12400xf32, #tpu.memory_space<vmem>>) dst(%dma_wait3A_59 : memref<12400xf32, #tpu.memory_space<hbm>>)
        tpu.yield
      }) : () -> ()
    }
    return
  }
}

module attributes {stable_mosaic.version = 14 : i64} {
  func.func @_mm_body(%arg0: i32, %arg1: memref<10000x128xf32, #tpu.memory_space<vmem>>, %arg2: memref<128x128xf32, #tpu.memory_space<vmem>>, %arg3: memref<10000x128xf32, #tpu.memory_space<vmem>>) attributes {dimension_semantics = [#tpu.dimension_semantics<arbitrary>], iteration_bounds = array<i64: 5>, scalar_prefetch = 0 : i64, scratch_operands = 0 : i64, tpu.core_type = #tpu.core_type<tc>, window_params = [{transform_indices = @transform_0, window_bounds = array<i64: 10000, 128>}, {pipeline_mode = #tpu.pipeline_mode<synchronous>, transform_indices = @transform_1, window_bounds = array<i64: 128, 128>}, {transform_indices = @transform_2, window_bounds = array<i64: 10000, 128>}]} {
    %get3A = arith.constant 0 : index
    %get3A_0 = arith.constant 0 : index
    %get3A_1 = vector.load %arg1[%get3A, %get3A_0] : memref<10000x128xf32, #tpu.memory_space<vmem>>, vector<10000x128xf32>
    %get3A_2 = arith.constant 0 : index
    %get3A_3 = arith.constant 0 : index
    %get3A_4 = vector.load %arg2[%get3A_2, %get3A_3] : memref<128x128xf32, #tpu.memory_space<vmem>>, vector<128x128xf32>
    %dot_general3A = arith.constant dense<0.000000e+00> : vector<10000x128xf32>
    %dot_general3A_5 = tpu.matmul %get3A_1, %get3A_4, %dot_general3A {dimension_numbers = #tpu.dot_dimension_numbers<[1], [1], [0], [0], [0, 0, 1, 0], [], []>, transpose_lhs_hint = false} : vector<10000x128xf32>, vector<128x128xf32>, vector<10000x128xf32> -> vector<10000x128xf32>
    %swap3A = arith.constant 0 : index
    %swap3A_6 = arith.constant 0 : index
    %swap3A_7 = vector.load %arg3[%swap3A, %swap3A_6] : memref<10000x128xf32, #tpu.memory_space<vmem>>, vector<10000x128xf32>
    tpu.vector_store %arg3[%swap3A, %swap3A_6], %dot_general3A_5 {strides = array<i32>} : memref<10000x128xf32, #tpu.memory_space<vmem>>, vector<10000x128xf32>,
    return
  }
  func.func @transform_0(%arg0: i32) -> (i32, i32) {
    %add3A = arith.constant 5 : i32
    %add3A_0 = arith.addi %arg0, %add3A : i32
    %c0_i32 = arith.constant 0 : i32
    %c0_i32_1 = arith.constant 0 : i32
    return %add3A_0, %c0_i32 : i32, i32
  }
  func.func @transform_1(%arg0: i32) -> (i32, i32) {
    %c0_i32 = arith.constant 0 : i32
    %c0_i32_0 = arith.constant 0 : i32
    %c0_i32_1 = arith.constant 0 : i32
    return %c0_i32, %c0_i32_0 : i32, i32
  }
  func.func @transform_2(%arg0: i32) -> (i32, i32) {
    %c0_i32 = arith.constant 0 : i32
    %c0_i32_0 = arith.constant 0 : i32
    return %arg0, %c0_i32 : i32, i32
  }
}

module attributes {stable_mosaic.version = 14 : i64} {
  func.func @_mm_body(%arg0: i32, %arg1: memref<10000x128xf32, #tpu.memory_space<vmem>>, %arg2: memref<128x128xf32, #tpu.memory_space<vmem>>, %arg3: memref<10000x128xf32, #tpu.memory_space<vmem>>) attributes {dimension_semantics = [#tpu.dimension_semantics<arbitrary>], iteration_bounds = array<i64: 5>, scalar_prefetch = 0 : i64, scratch_operands = 0 : i64, tpu.core_type = #tpu.core_type<tc>, window_params = [{transform_indices = @transform_0, window_bounds = array<i64: 10000, 128>}, {pipeline_mode = #tpu.pipeline_mode<synchronous>, transform_indices = @transform_1, window_bounds = array<i64: 128, 128>}, {transform_indices = @transform_2, window_bounds = array<i64: 10000, 128>}]} {
    %get3A = arith.constant 0 : index
    %get3A_0 = arith.constant 0 : index
    %get3A_1 = vector.load %arg1[%get3A, %get3A_0] : memref<10000x128xf32, #tpu.memory_space<vmem>>, vector<10000x128xf32>
    %get3A_2 = arith.constant 0 : index
    %get3A_3 = arith.constant 0 : index
    %get3A_4 = vector.load %arg2[%get3A_2, %get3A_3] : memref<128x128xf32, #tpu.memory_space<vmem>>, vector<128x128xf32>
    %dot_general3A = arith.constant dense<0.000000e+00> : vector<10000x128xf32>
    %dot_general3A_5 = tpu.matmul %get3A_1, %get3A_4, %dot_general3A {dimension_numbers = #tpu.dot_dimension_numbers<[1], [1], [0], [0], [0, 0, 1, 0], [], []>, transpose_lhs_hint = false} : vector<10000x128xf32>, vector<128x128xf32>, vector<10000x128xf32> -> vector<10000x128xf32>
    %swap3A = arith.constant 0 : index
    %swap3A_6 = arith.constant 0 : index
    %swap3A_7 = vector.load %arg3[%swap3A, %swap3A_6] : memref<10000x128xf32, #tpu.memory_space<vmem>>, vector<10000x128xf32>
    tpu.vector_store %arg3[%swap3A, %swap3A_6], %dot_general3A_5 {strides = array<i32>} : memref<10000x128xf32, #tpu.memory_space<vmem>>, vector<10000x128xf32>,
    return
  }
  func.func @transform_0(%arg0: i32) -> (i32, i32) {
    %add3A = arith.constant 0 : i32
    %add3A_0 = arith.addi %arg0, %add3A : i32
    %c0_i32 = arith.constant 0 : i32
    %c0_i32_1 = arith.constant 0 : i32
    return %add3A_0, %c0_i32 : i32, i32
  }
  func.func @transform_1(%arg0: i32) -> (i32, i32) {
    %c0_i32 = arith.constant 0 : i32
    %c0_i32_0 = arith.constant 0 : i32
    %c0_i32_1 = arith.constant 0 : i32
    return %c0_i32, %c0_i32_0 : i32, i32
  }
  func.func @transform_2(%arg0: i32) -> (i32, i32) {
    %c0_i32 = arith.constant 0 : i32
    %c0_i32_0 = arith.constant 0 : i32
    return %arg0, %c0_i32 : i32, i32
  }
}

</mosaic_0001>

<sc_bundles>
// kernel: kernel.6.cloned.1.call-start
scs
__scs_entry_jumppad:
0x0: {  	(pc) =	sbr.rel $0x88, $3  }
0x1: {  	(tag) =	ssettag $0x0;
	lr =	simm.s32 $0x1  }
0x2: {  	[smem:$0x3F9F] =	sst lr;
	_ =	strace $0xD0000000  }
0x3: {  	_ = 	snop  }
0x4: {  	_ = 	snop  }
0x5: {  	_ = 	snop  }
0x6: {  	_ = 	snop  }
0x7: {  	_ = 	snop  }
__scs_overlays_trampoline_lowered:
0x8: {  	[smem:$0x3FAE] =	sst s0  }
0x9: {  	[smem:$0x3FAF] =	sst s1  }
0xa: {  	[smem:$0x3FB0] =	sst s2  }
0xb: {  	[smem:$0x3FB1] =	sst s3  }
0xc: {  	[smem:$0x3FB2] =	sst s4  }
0xd: {  	[smem:$0x3FB3] =	sst s5  }
0xe: {  	[smem:$0x3FB4] =	sst s6  }
0xf: {  	[smem:$0x3FB5] =	sst s7  }
0x10: {  	[smem:$0x3FB6] =	sst s8  }
0x11: {  	[smem:$0x3FB7] =	sst s9;
	s0 =	simm.s32 @!p0 $0x0  }
0x12: {  	s1 =	sld [smem:$0x3F9D];
	s0 =	simm.s32 @p0 $0x1  }
0x13: {  	[smem:$0x3FB8] =	sst s0;
	s0 =	simm.s32 @!p1 $0x0  }
0x14: {  	s2 =	sld [smem:$0x3F9C];
	s0 =	simm.s32 @p1 $0x1  }
0x15: {  	[smem:$0x3FB9] =	sst s0;
	s0 =	simm.s32 @!p2 $0x0  }
0x16: {  	s3 =	sld [smem:$0x3FDB];
	s0 =	simm.s32 @p2 $0x1  }
0x17: {  	s4 =	simm.s32 $0x1BF5;
	[smem:$0x3FBB] =	sst s0  }
0x18: {  	s0 =	sld [smem:$0x3F9E];
	_ =	swait.ge [sflag:s4], $0x0  }
0x19: {  	s7 =	sld [smem:$0x3F9F]  }
0x1a: {  	s8 =	sadd.s32 $0xFFFFE003, lr  }
0x1b: {  	s9 =	sadd.s32 $0xFFFFFEF7, lr;
	s5 =	simm.s32 $0xFFFFFFFF;
	p2 =	slt.u32 s8, $0xFFFFF086  }
0x1c: {  	p1 =	slt.u32 s9, $0xF7A;
	s5 =	simm.s32 @!p2 $0x0  }
0x1d: {  	s5 =	simm.s32 @p1 $0x1;
	p0 =	seq.s32 s7, s2  }
0x1e: {  	s7 =	smul.u32 @!p0 $0xF7A, s2;
	p2 =	seq.s32 @!p0 s5, $0x0  }
0x1f: {  	s9 =	smul.u32 $0xF7A, s1;
	s8 =	simm.s32 @!p0 $0x1BF5;
	p2 =	por !p2, p0  }
0x20: {  	[sflag:s8] =	ssyncset.s32 @!p0 $0xFFFFF086;
	s6 =	sadd.s32 @!p0 s3, s7;
	s7 =	simm.s32 @!p0 $0x108  }
0x21: {  	s3 =	sadd.s32 s3, s9;
	s6 =	sadd.s32 @!p0 $0x88, s6;
	s7 =	simm.s32 @p2 $0x1082  }
0x22: {  	[simem:s7], [sflag:s8] =	dma.local @!p0 [hbm:s6], $0xF7A  }
0x23: {  	s9 =	sor.u32 $0xD0000000, s2;
	s6 =	simm.s32 $0x108;
	_ =	swait.ge @!p0 [sflag:s8], $0x0  }
0x24: {  	s3 =	sadd.s32 $0x88, s3;
	s6 =	simm.s32 @!p1 $0x1082;
	[sflag:s4] =	ssyncset.s32 $0xFFFFF086  }
0x25: {  	[simem:s6], [sflag:s4] =	dma.local [hbm:s3], $0xF7A  }
0x26: {  	[smem:$0x3F9F] =	sst s1;
	(tag) =	ssettag s2;
	_ =	strace s9  }
0x27: {  	s1 =	sld [smem:$0x3FAF]  }
0x28: {  	s2 =	sld [smem:$0x3FB0]  }
0x29: {  	s4 =	sld [smem:$0x3FB2]  }
0x2a: {  	p0 =	seq.s32 s5, $0x0;
	s5 =	sld [smem:$0x3FB3]  }
0x2b: {  	s6 =	sld [smem:$0x3FB4]  }
0x2c: {  	s7 =	sld [smem:$0x3FB5]  }
0x2d: {  	s3 =	simm.s32 $0x108;
	s8 =	sld [smem:$0x3FB6]  }
0x2e: {  	s3 =	simm.s32 @!p0 $0x1082;
	s9 =	sld [smem:$0x3FB7]  }
0x2f: {  	lr =	sadd.s32 s0, s3;
	s0 =	sld [smem:$0x3FAE]  }
0x30: {  	s3 =	sld [smem:$0x3FB1]  }
0x31: {  	[smem:$0x3FBA] =	sst s10  }
0x32: {  	s10 =	sld [smem:$0x3FB8];
	_ =	sdelay $0x3  }
0x33: {  	p0 =	seq.s32 s10, $0x1;
	s10 =	sld [smem:$0x3FBA];
	_ =	sdelay $0x3  }
0x34: {  	[smem:$0x3FBA] =	sst s10  }
0x35: {  	s10 =	sld [smem:$0x3FB9];
	_ =	sdelay $0x3  }
0x36: {  	p1 =	seq.s32 s10, $0x1;
	s10 =	sld [smem:$0x3FBA];
	_ =	sdelay $0x3  }
0x37: {  	[smem:$0x3FBA] =	sst s10  }
0x38: {  	s10 =	sld [smem:$0x3FBB]  }
0x39: {  	_ = 	snop;
	(pc) =	sbr.ind lr, $3  }
0x3a: {  	_ = 	snop  }
0x3b: {  	_ = 	snop  }
0x3c: {  	p2 =	seq.s32 s10, $0x1;
	s10 =	sld [smem:$0x3FBA]  }
0x3d: {  	_ =	shalt  }
0x3e: {  	_ =	shalt  }
0x3f: {  	_ =	shalt  }
0x40: {  	_ =	shalt  }
0x41: {  	_ =	shalt  }
0x42: {  	_ =	shalt  }
0x43: {  	_ =	shalt  }
0x44: {  	_ =	shalt  }
0x45: {  	_ =	shalt  }
0x46: {  	_ =	shalt  }
0x47: {  	_ =	shalt  }
0x48: {  	_ =	shalt  }
0x49: {  	_ =	shalt  }
0x4a: {  	_ =	shalt  }
0x4b: {  	_ =	shalt  }
0x4c: {  	_ =	shalt  }
0x4d: {  	_ =	shalt  }
0x4e: {  	_ =	shalt  }
0x4f: {  	_ =	shalt  }
0x50: {  	_ =	shalt  }
0x51: {  	_ =	shalt  }
0x52: {  	_ =	shalt  }
0x53: {  	_ =	shalt  }
0x54: {  	_ =	shalt  }
0x55: {  	_ =	shalt  }
0x56: {  	_ =	shalt  }
0x57: {  	_ =	shalt  }
0x58: {  	_ =	shalt  }
0x59: {  	_ =	shalt  }
0x5a: {  	_ =	shalt  }
0x5b: {  	_ =	shalt  }
0x5c: {  	_ =	shalt  }
0x5d: {  	_ =	shalt  }
0x5e: {  	_ =	shalt  }
0x5f: {  	_ =	shalt  }
0x60: {  	_ =	shalt  }
0x61: {  	_ =	shalt  }
0x62: {  	_ =	shalt  }
0x63: {  	_ =	shalt  }
0x64: {  	_ =	shalt  }
0x65: {  	_ =	shalt  }
0x66: {  	_ =	shalt  }
0x67: {  	_ =	shalt  }
0x68: {  	_ =	shalt  }
0x69: {  	_ =	shalt  }
0x6a: {  	_ =	shalt  }
0x6b: {  	_ =	shalt  }
0x6c: {  	_ =	shalt  }
0x6d: {  	_ =	shalt  }
0x6e: {  	_ =	shalt  }
0x6f: {  	_ =	shalt  }
0x70: {  	_ =	shalt  }
0x71: {  	_ =	shalt  }
0x72: {  	_ =	shalt  }
0x73: {  	_ =	shalt  }
0x74: {  	_ =	shalt  }
0x75: {  	_ =	shalt  }
0x76: {  	_ =	shalt  }
0x77: {  	_ =	shalt  }
0x78: {  	_ =	shalt  }
0x79: {  	_ =	shalt  }
0x7a: {  	_ =	shalt  }
0x7b: {  	_ =	shalt  }
0x7c: {  	_ =	shalt  }
0x7d: {  	_ =	shalt  }
0x7e: {  	_ =	shalt  }
0x7f: {  	_ =	shalt  }
0x80: {  	_ =	shalt  }
0x81: {  	_ =	shalt  }
0x82: {  	_ =	shalt  }
0x83: {  	_ =	shalt  }
0x84: {  	_ =	shalt  }
0x85: {  	_ =	shalt  }
0x86: {  	_ =	shalt  }
0x87: {  	_ =	shalt  }
.Lfunc_end0:
.L_simem_size_0:
called_computation_lowered:
.L_overlay_start_0:
0x88: {  	s2 =	sld [smem:$0x3FD9]  }
0x89: {  	s3 =	sld [smem:$0x3FFE];
	_ =	sdelay $0x1  }
0x8a: {  	s1 =	srdreg.scid  }
0x8b: {  	s0 =	sand.u32 $0x1, s1  }
0x8c: {  	s17 =	sshll.u32 s0, $0xA;
	s2 =	sadd.s32 s3, s2  }
0x8d: {  	s2 =	sadd.s32 s2, s17  }
0x8e: {  	[smem:$0x3FC6] =	sst s2  }
0x8f: {  	_ = 	snop  }
0x90: {  	s18 =	sld [smem:$0x3FD0];
	(tm) =	ssettm $0x1  }
0x91: {  	s19 =	sld [smem:$0x3FFB];
	_ =	sdelay $0x3  }
0x92: {  	_ =	strace s19  }
0x93: {  	s2 =	sld [smem:$0x3FFC];
	_ =	sdelay $0x3  }
0x94: {  	_ =	strace s2  }
0x95: {  	s2 =	sld [smem:$0x3FFD];
	_ =	sdelay $0x3  }
0x96: {  	_ =	strace s2  }
0x97: {  	_ =	strace $0x8FFFFFFF  }
0x98: {  	s20 =	sld [smem:$0x3FDB];
	_ =	sdelay $0x1  }
0x99: {  	s4 =	simm.s32 $_scs_section_size  }
0x9a: {  	s5 =	simm.s32 $_size__tile_overlayer_lowered;
	s6 =	simm.s32 $_tile_overlayer_lowered  }
0x9b: {  	s7 =	simm.s32 $0x1BFF;
	s21 =	sshll.u32 s6, $0x1;
	s4 =	sadd.s32 s4, s20  }
0x9c: {  	s22 =	simm.s32 $0x0;
	s5 =	sshll.u32 s5, $0x1;
	s6 =	sadd.s32 s21, s4  }
0x9d: {  	[timem:s22], [sflag:s7] =	dma.local [hbm:s6], s5  }
0x9e: {  	_ =	swait.ge [sflag:s7], s5  }
0x9f: {  	s5 =	ssub.s32 $0x0, s5;
	[sflag:s7] =	ssyncset.done $0x0  }
0xa0: {  	[sflag:s7] =	ssyncadd.s32 s5;
	_ =	sdelay $0x1  }
0xa1: {  	s23 =	simm.s32 $0x1B8B  }
0xa2: {  	_ =	swait.ge [sflag:s23], $0x1  }
0xa3: {  	[sflag:s23] =	ssyncset.done $0x0  }
0xa4: {  	[sflag:s23] =	ssyncadd.s32 $0xFFFFFFFF  }
0xa5: {  	s5 =	sld [smem:$0x0]  }
0xa6: {  	s6 =	sand.u32 $0xFFFFFFFE, s1  }
0xa7: {  	p0 =	sne.s32 s1, s6  }
0xa8: {  	s6 =	sshll.u32 @p0 s6, $0xE  }
0xa9: {  	s6 =	sadd.s32 @p0 $0x11B8D, s6;
	s7 =	sshll.u32 @p0 s5, $0x11  }
0xaa: {  	s6 =	sor.u32 @p0 s7, s6  }
0xab: {  	[sflag:s6] =	ssyncadd.remote.s32 @p0 $0x1;
	_ =	sdelay $0x1  }
0xac: {  	s6 =	simm.s32 @p0 $0x1B8D  }
0xad: {  	_ =	swait.eq @p0 [sflag:s6], $0x1  }
0xae: {  	[sflag:s6] =	ssyncadd.s32 @p0 $0xFFFFFFFF  }
0xaf: {  	s7 =	sshll.u32 @!p0 s1, $0xE  }
0xb0: {  	s7 =	sor.u32 @!p0 $0x4000, s7;
	s6 =	simm.s32 @!p0 $0x1B8D  }
0xb1: {  	s5 =	sshll.u32 @!p0 s5, $0x11;
	s7 =	sadd.s32 @!p0 $0x11B8D, s7;
	_ =	swait.eq @!p0 [sflag:s6], $0x1  }
0xb2: {  	s5 =	sor.u32 @!p0 s5, s7;
	[sflag:s6] =	ssyncadd.s32 @!p0 $0xFFFFFFFF  }
0xb3: {  	s25 =	simm.s32 $0x1B8E;
	s24 =	sld [smem:$0x3FFE];
	[sflag:s5] =	ssyncadd.remote.s32 @!p0 $0x1  }
0xb4: {  	s26 =	simm.s32 $execute0_lowered;
	[smem:$0x3FD2] =	sst s25  }
0xb5: {  	s6 =	sshll.u32 s26, $0x1;
	_ =	strace $0x80000049;
	[dreg:$0x1] =	wrdreg $0xFFFFFFFF  }
0xb6: {  	s28 =	simm.s32 $_size_execute0_lowered;
	s4 =	sadd.s32 s4, s6;
	[dreg:$0x0] =	wrdreg $0x0  }
0xb7: {  	s6 =	sshll.u32 s28, $0x1;
	[dreg:$0x2] =	wrdreg s4  }
0xb8: {  	[dreg:$0x3] =	wrdreg s6  }
0xb9: {  	[dreg:$0x4] =	wrdreg $0xC0  }
0xba: {  	_ =	task [dreg:s22], $0x5FFFF  }
0xbb: {  	[dreg:$0x1] =	wrdreg $0xFFFFFFFF  }
0xbc: {  	[dreg:$0x0] =	wrdreg $0x60  }
0xbd: {  	[dreg:$0x2] =	wrdreg s24  }
0xbe: {  	[dreg:$0x3] =	wrdreg s18  }
0xbf: {  	[dreg:$0x4] =	wrdreg $0x9  }
0xc0: {  	_ =	task.clear_ibuf [dreg:s22], $0x5FFFF;
	_ =	strace $0x90000049  }
0xc1: {  	s29 =	simm.s32 $0x9;
	_ =	strace $0x8000004B  }
0xc2: {  	_ =	swait.ge [sflag:s29], $0x1  }
0xc3: {  	[sflag:s29] =	ssyncadd.s32 $0xFFFFFFFF  }
0xc4: {  	_ =	strace $0x9000004B  }
0xc5: {  	_ =	sfence  }
0xc6: {  	s30 =	sld [smem:$0x0];
	_ =	sdelay $0x2  }
0xc7: {  	s31 =	sshll.u32 s1, $0xD;
	s1 =	sshrl.u32 s1, $0x2  }
0xc8: {  	s4 =	sand.u32 $0x4000, s31;
	s1 =	sadd.s32 s1, s30  }
0xc9: {  	s0 =	sor.u32 s4, s0;
	s1 =	sshll.u32 s1, $0x11  }
0xca: {  	s0 =	sor.u32 s1, s0  }
0xcb: {  	s0 =	sadd.s32 $0x8F2B, s0  }
0xcc: {  	[sflag:s0] =	ssyncadd.remote.s32 $0x1  }
0xcd: {  	_ =	sfence.sel $0xFFFF  }
0xce: {  	[dreg:$0x0] =	wrdreg $0xFFFFFFFF;
	(pc) =	sbr.abs _section_cstart, $3  }
0xcf: {  	[dreg:$0x1] =	wrdreg $0xFFFFFFFF  }
0xd0: {  	_ =	task.clear_ibuf [dreg:s22], $0x2FFFF;
	_ =	strace $0x9FFFFFFF  }
0xd1: {  	(tm) =	ssettm $0x7FFFFFFF  }
tec
execute0_lowered:
.L_overlay_start_1:
0x0: {  	(tag) =	ssettag $0x1  }
0x1: {  	s4 =	rddreg [dreg:$0x0]  }
0x2: {  	s1 =	rddreg [dreg:$0x1]  }
0x3: {  	s0 =	rddreg [dreg:$0x2];
	s3 =	simm.s32 $0x0  }
0x4: {  	s5 =	srdreg.scid;
	s2 =	stileid.u32;
	s11 =	simm.s32 $0x80  }
0x5: {  	s12 =	simm.s32 $0x400;
	s13 =	simm.s32 $0x0;
	[smem:$0x7FF] =	sst s3  }
0x6: {  	s5 =	sand.u32 $0x1, s5;
	s6 =	sshll.u32 s2, $0x1;
	s4 =	sadd.s32 $0xF4600, s4  }
0x7: {  	_ =	strace $0x8000004A;
	s7 =	ssub.s32 $0x2, s5;
	s5 =	sor.u32 s5, s6  }
0x8: {  	s31 =	sshrl.u32 s7, $0x1;
	s8 =	ssub.s32 $0x9C, s5;
	s9 =	sshll.u32 s5, $0x7  }
0x9: {  	s10 =	ssub.s32 s7, s31;
	s6 =	sshrl.u32 s8, $0x5;
	s7 =	sand.u32 $0x380, s9  }
0xa: {  	v0 =	vlaneseq.u32;
	v1 =	vimm.f32 $1.000000000e+00;
	s9 =	simm.s32 $0x1;
	s8 =	smax.u32 s10, $0x1;
	s10 =	simm.s32 $0xC800  }
.LBB2_1:
0xb: {  	s14 =	simm.s32 $0x0  }
.LBB2_2:
0xc: {  	s15 =	sshll.u32 s14, $0x5  }
0xd: {  	s15 =	sor.u32 s5, s15  }
0xe: {  	s17 =	simm.s32 $0x0;
	s16 =	smul.u32 $0xC800, s15  }
0xf: {  	v3 =	vor.u32 s17, v0  }
0x10: {  	v4 =	vshll.u32 v3, $0x7;
	s16 =	sshrl.u32 s16, $0x3  }
0x11: {  	v2 =	vor.u32 $0x3, v4;
	s16 =	sadd.s32 s4, s16  }
0x12: {  	[tilespmem:s17], [sflag:$0x1] =	stream.linear.gather [hbm4b:s16+s17], $0xC800, $0x38;
	[tilespmem:$0xF880] =	vst v63  }
0x13: {  	v5 =	vor.u32 $0x2, v4;
	_ =	swait.ge [sflag:s9], $0xC800  }
0x14: {  	v6 =	vor.u32 $0x5, v4;
	[sflag:s9] =	ssyncset.done $0x0  }
0x15: {  	v7 =	vor.u32 $0xD, v4;
	[sflag:s9] =	ssyncadd.s32 $0xFFFF3800  }
0x16: {  	v8 =	vor.u32 $0x1, v4;
	v11 =	vld.idx.msk [tilespmem:v2+s3+$0x0], $0xffff  }
0x17: {  	v9 =	vor.u32 $0xB, v4;
	v10 =	vld.idx.msk [tilespmem:v4+s3+$0x0], $0xffff  }
0x18: {  	v12 =	vor.u32 $0x4, v4;
	v13 =	vld.idx.msk [tilespmem:v5+s3+$0x0], $0xffff  }
0x19: {  	v5 =	vor.u32 $0xC, v4;
	v14 =	vld.idx.msk [tilespmem:v6+s3+$0x0], $0xffff  }
0x1a: {  	v6 =	vor.u32 $0x7, v4;
	v2 =	vld.idx.msk [tilespmem:v7+s3+$0x0], $0xffff  }
0x1b: {  	v7 =	vor.u32 $0x8, v4;
	v15 =	vld.idx.msk [tilespmem:v8+s3+$0x0], $0xffff  }
0x1c: {  	v8 =	vor.u32 $0x9, v4;
	v16 =	vld.idx.msk [tilespmem:v9+s3+$0x0], $0xffff  }
0x1d: {  	v3 =	vmul.u32 $0x1F, v3;
	v9 =	vor.u32 $0xA, v4;
	v19 =	vld.idx.msk [tilespmem:v12+s3+$0x0], $0xffff  }
0x1e: {  	v17 =	vor.u32 $0xE, v4;
	v12 =	vor.u32 $0x6, v4;
	v5 =	vld.idx.msk [tilespmem:v5+s3+$0x0], $0xffff  }
0x1f: {  	v22 =	vadd.s32 $0x1, v3;
	v24 =	vadd.s32 $0x6, v3;
	v27 =	vadd.s32 $0x3, v3;
	v20 =	vld.idx.msk [tilespmem:v6+s3+$0x0], $0xffff  }
0x20: {  	v29 =	vadd.s32 $0x2, v3;
	v33 =	vadd.s32 $0x5, v3;
	v18 =	vsub.f32 $0.0e+00, v10;
	v23 =	vld.idx.msk [tilespmem:v7+s3+$0x0], $0xffff  }
0x21: {  	v37 =	vadd.s32 $0x9, v3;
	v62 =	vadd.s32 $0xE, v3;
	v4 =	vadd.s32 $0x19, v3;
	v26 =	vld.idx.msk [tilespmem:v8+s3+$0x0], $0xffff  }
0x22: {  	v21 =	vsub.f32 $0.0e+00, v13;
	v6 =	vsub.f32 $0.0e+00, v14;
	v28 =	vld.idx.msk [tilespmem:v9+s3+$0x0], $0xffff;
	v25 =	vmin.f32 v18, $1.000000000e+00  }
0x23: {  	v8 =	vld.idx.msk [tilespmem:v12+s3+$0x0], $0xffff;
	v30 =	vclamp.gez.f32 v25, v13;
	v9 =	vmin.f32 v25, v13;
	v13 =	vadd.s32 $0x4, v3  }
0x24: {  	v12 =	vsub.f32 $0.0e+00, v15;
	v7 =	vld.idx.msk [tilespmem:v17+s3+$0x0], $0xffff;
	[tilespmem:v3+s10+$0x0] =	vst.idx.msk $0xffff, v1;
	v34 =	vclamp.gez.f32 v10, $1.000000000e+00;
	v10 =	vmin.f32 v10, $1.000000000e+00  }
0x25: {  	[tilespmem:v22+s10+$0x0] =	vst.idx.msk $0xffff, v34;
	v32 =	vclamp.gez.f32 v9, v14;
	v35 =	vmin.f32 v9, v14;
	v14 =	vclamp.gez.f32 v18, $1.000000000e+00  }
0x26: {  	v17 =	vsub.f32 $0.0e+00, v19;
	v22 =	vadd.s32 $0x7, v3;
	[tilespmem:v29+s10+$0x0] =	vst.idx.msk $0xffff, v14;
	v14 =	vclamp.gez.f32 v10, v15  }
0x27: {  	v38 =	vmin.f32 v10, v15;
	[tilespmem:v27+s10+$0x0] =	vst.idx.msk $0xffff, v14;
	v14 =	vclamp.gez.f32 v10, v12;
	v27 =	vadd.s32 $0x8, v3  }
0x28: {  	v58 =	vsub.f32 $0.0e+00, v16;
	v61 =	vmin.f32 v10, v12;
	v31 =	vclamp.gez.f32 v25, v21;
	[tilespmem:v13+s10+$0x0] =	vst.idx.msk $0xffff, v14  }
0x29: {  	v18 =	vclamp.gez.f32 v9, v6;
	v13 =	vsub.f32 $0.0e+00, v11;
	v14 =	vadd.s32 $0xA, v3;
	[tilespmem:v33+s10+$0x0] =	vst.idx.msk $0xffff, v30  }
0x2a: {  	v59 =	vsub.f32 $0.0e+00, v20;
	v15 =	vclamp.gez.f32 v38, v11;
	[tilespmem:v24+s10+$0x0] =	vst.idx.msk $0xffff, v31;
	v24 =	vadd.s32 $0xB, v3  }
0x2b: {  	v36 =	vsub.f32 $0.0e+00, v23;
	v12 =	vadd.s32 $0xC, v3;
	v10 =	vclamp.gez.f32 v38, v13;
	[tilespmem:v22+s10+$0x0] =	vst.idx.msk $0xffff, v15  }
0x2c: {  	v13 =	vmin.f32 v38, v13;
	v22 =	vadd.s32 $0xD, v3;
	[tilespmem:v27+s10+$0x0] =	vst.idx.msk $0xffff, v10;
	v10 =	vclamp.gez.f32 v61, v19  }
0x2d: {  	v60 =	vsub.f32 $0.0e+00, v26;
	v63 =	vclamp.gez.f32 v13, v23;
	[tilespmem:v37+s10+$0x0] =	vst.idx.msk $0xffff, v10;
	v10 =	vclamp.gez.f32 v61, v17  }
0x2e: {  	v36 =	vclamp.gez.f32 v13, v36;
	v13 =	vadd.s32 $0xF, v3;
	v15 =	vmin.f32 v61, v17;
	[tilespmem:v14+s10+$0x0] =	vst.idx.msk $0xffff, v10  }
0x2f: {  	v27 =	vsub.f32 $0.0e+00, v8;
	v14 =	vmin.f32 v25, v21;
	v21 =	vadd.s32 $0x10, v3;
	[tilespmem:v24+s10+$0x0] =	vst.idx.msk $0xffff, v32  }
0x30: {  	v23 =	vadd.s32 $0x14, v3;
	v24 =	vadd.s32 $0x11, v3;
	[tilespmem:v12+s10+$0x0] =	vst.idx.msk $0xffff, v18;
	v12 =	vclamp.gez.f32 v14, v8  }
0x31: {  	v17 =	vmin.f32 v38, v11;
	v11 =	vclamp.gez.f32 v14, v27;
	[tilespmem:v22+s10+$0x0] =	vst.idx.msk $0xffff, v12;
	v22 =	vadd.s32 $0x12, v3  }
0x32: {  	v10 =	vclamp.gez.f32 v35, v58;
	v20 =	vclamp.gez.f32 v17, v20;
	v25 =	vadd.s32 $0x13, v3;
	[tilespmem:v62+s10+$0x0] =	vst.idx.msk $0xffff, v11  }
0x33: {  	v18 =	vclamp.gez.f32 v15, v28;
	v12 =	vsub.f32 $0.0e+00, v5;
	[tilespmem:v13+s10+$0x0] =	vst.idx.msk $0xffff, v20;
	v20 =	vclamp.gez.f32 v17, v59  }
0x34: {  	v11 =	vmin.f32 v14, v27;
	v27 =	vmin.f32 v61, v19;
	[tilespmem:v21+s10+$0x0] =	vst.idx.msk $0xffff, v20;
	v21 =	vadd.s32 $0x15, v3  }
0x35: {  	v19 =	vadd.s32 $0x17, v3;
	v17 =	vclamp.gez.f32 v35, v16;
	v20 =	vadd.s32 $0x16, v3;
	[tilespmem:v24+s10+$0x0] =	vst.idx.msk $0xffff, v63  }
0x36: {  	v13 =	vclamp.gez.f32 v11, v7;
	v16 =	vadd.s32 $0x1E, v3;
	[tilespmem:v22+s10+$0x0] =	vst.idx.msk $0xffff, v36;
	v22 =	vclamp.gez.f32 v27, v26  }
0x37: {  	s16 =	simm.s32 $0x10;
	v24 =	vsub.f32 $0.0e+00, v28;
	[tilespmem:v25+s10+$0x0] =	vst.idx.msk $0xffff, v22;
	v25 =	vclamp.gez.f32 v27, v60;
	v22 =	vadd.s32 $0x18, v3  }
.LBB2_3:
0x38: {  	p0 =	sne.s32 s16, $0x180;
	[tilespmem:v23+s10+$0x0] =	vst.idx.msk $0xffff, v25;
	v23 =	vadd.s32 $0x1B, v3;
	v25 =	vadd.s32 $0x1C, v3;
	v26 =	vadd.s32 $0x1D, v3;
	s17 =	smov.u32 s16;
	s16 =	sadd.s32 $0x10, s16  }
0x39: {  	v6 =	vmin.f32 v9, v6;
	v3 =	vadd.s32 $0x1A, v3;
	[tilespmem:v21+s10+$0x0] =	vst.idx.msk $0xffff, v18;
	v9 =	vclamp.gez.f32 v15, v24  }
0x3a: {  	v8 =	vmin.f32 v14, v8;
	v14 =	vsub.f32 $0.0e+00, v2;
	v5 =	vclamp.gez.f32 v6, v5;
	[tilespmem:v20+s10+$0x0] =	vst.idx.msk $0xffff, v9  }
0x3b: {  	v7 =	vsub.f32 $0.0e+00, v7;
	v6 =	vclamp.gez.f32 v6, v12;
	v9 =	vor.u32 s17, v0;
	[tilespmem:v19+s10+$0x0] =	vst.idx.msk $0xffff, v17  }
0x3c: {  	v2 =	vclamp.gez.f32 v8, v2;
	v8 =	vclamp.gez.f32 v8, v14;
	v12 =	vshll.u32 v9, $0x7;
	[tilespmem:v22+s10+$0x0] =	vst.idx.msk $0xffff, v10  }
0x3d: {  	v10 =	vor.u32 $0x1, v12;
	v14 =	vor.u32 $0x2, v12;
	v15 =	vor.u32 $0x3, v12;
	[tilespmem:v4+s10+$0x0] =	vst.idx.msk $0xffff, v5  }
0x3e: {  	v17 =	vor.u32 $0x6, v12;
	v4 =	vor.u32 $0x4, v12;
	v5 =	vor.u32 $0x5, v12;
	[tilespmem:v3+s10+$0x0] =	vst.idx.msk $0xffff, v6  }
0x3f: {  	v18 =	vor.u32 $0x8, v12;
	v19 =	vor.u32 $0x9, v12;
	v6 =	vor.u32 $0x7, v12;
	[tilespmem:v23+s10+$0x0] =	vst.idx.msk $0xffff, v2  }
0x40: {  	v20 =	vor.u32 $0xA, v12;
	v21 =	vor.u32 $0xB, v12;
	v22 =	vor.u32 $0xC, v12;
	[tilespmem:v25+s10+$0x0] =	vst.idx.msk $0xffff, v8  }
0x41: {  	v3 =	vclamp.gez.f32 v11, v7;
	v2 =	vor.u32 $0xD, v12;
	v23 =	vor.u32 $0xE, v12;
	[tilespmem:v26+s10+$0x0] =	vst.idx.msk $0xffff, v13  }
0x42: {  	[tilespmem:v16+s10+$0x0] =	vst.idx.msk $0xffff, v3  }
0x43: {  	v13 =	vld.idx.msk [tilespmem:v15+s3+$0x0], $0xffff  }
0x44: {  	v11 =	vld.idx.msk [tilespmem:v12+s3+$0x0], $0xffff  }
0x45: {  	v7 =	vld.idx.msk [tilespmem:v14+s3+$0x0], $0xffff  }
0x46: {  	v12 =	vld.idx.msk [tilespmem:v5+s3+$0x0], $0xffff  }
0x47: {  	v2 =	vld.idx.msk [tilespmem:v2+s3+$0x0], $0xffff  }
0x48: {  	v10 =	vld.idx.msk [tilespmem:v10+s3+$0x0], $0xffff  }
0x49: {  	v3 =	vmul.u32 $0x1F, v9;
	v14 =	vld.idx.msk [tilespmem:v21+s3+$0x0], $0xffff  }
0x4a: {  	v15 =	vsub.f32 $0.0e+00, v11;
	v16 =	vld.idx.msk [tilespmem:v4+s3+$0x0], $0xffff  }
0x4b: {  	v24 =	vadd.s32 $0x6, v3;
	v21 =	vsub.f32 $0.0e+00, v7;
	v5 =	vld.idx.msk [tilespmem:v22+s3+$0x0], $0xffff;
	v22 =	vadd.s32 $0x1, v3  }
0x4c: {  	v4 =	vadd.s32 $0x19, v3;
	v26 =	vmin.f32 v15, $1.000000000e+00;
	v25 =	vld.idx.msk [tilespmem:v6+s3+$0x0], $0xffff;
	v6 =	vsub.f32 $0.0e+00, v12  }
0x4d: {  	v27 =	vadd.s32 $0x3, v3;
	v28 =	vclamp.gez.f32 v26, v7;
	v29 =	vclamp.gez.f32 v26, v21;
	v18 =	vld.idx.msk [tilespmem:v18+s3+$0x0], $0xffff  }
0x4e: {  	v9 =	vmin.f32 v26, v7;
	v30 =	vsub.f32 $0.0e+00, v10;
	v19 =	vld.idx.msk [tilespmem:v19+s3+$0x0], $0xffff  }
0x4f: {  	v32 =	vadd.s32 $0x4, v3;
	v33 =	vclamp.gez.f32 v9, v12;
	v31 =	vld.idx.msk [tilespmem:v20+s3+$0x0], $0xffff;
	v20 =	vadd.s32 $0x2, v3  }
0x50: {  	v34 =	vmin.f32 v9, v12;
	v35 =	vclamp.gez.f32 v9, v6;
	v8 =	vld.idx.msk [tilespmem:v17+s3+$0x0], $0xffff;
	v17 =	vsub.f32 $0.0e+00, v16  }
0x51: {  	v36 =	vadd.s32 $0x7, v3;
	v12 =	vadd.s32 $0x5, v3;
	v7 =	vld.idx.msk [tilespmem:v23+s3+$0x0], $0xffff;
	v23 =	vsub.f32 $0.0e+00, v14  }
0x52: {  	v37 =	vmin.f32 v11, $1.000000000e+00;
	v11 =	vclamp.gez.f32 v11, $1.000000000e+00;
	v38 =	vsub.f32 $0.0e+00, v25;
	[tilespmem:v3+s10+$0x0] =	vst.idx.msk $0xffff, v1  }
0x53: {  	v39 =	vsub.f32 $0.0e+00, v18;
	[tilespmem:v22+s10+$0x0] =	vst.idx.msk $0xffff, v11;
	v11 =	vclamp.gez.f32 v15, $1.000000000e+00;
	v22 =	vadd.s32 $0x9, v3  }
0x54: {  	v15 =	vsub.f32 $0.0e+00, v13;
	v40 =	vsub.f32 $0.0e+00, v19;
	[tilespmem:v20+s10+$0x0] =	vst.idx.msk $0xffff, v11;
	v11 =	vclamp.gez.f32 v37, v10  }
0x55: {  	v20 =	vmin.f32 v37, v10;
	v10 =	vclamp.gez.f32 v37, v30;
	[tilespmem:v27+s10+$0x0] =	vst.idx.msk $0xffff, v11;
	v11 =	vadd.s32 $0x8, v3  }
0x56: {  	v27 =	vmin.f32 v20, v15;
	v41 =	vsub.f32 $0.0e+00, v8;
	[tilespmem:v32+s10+$0x0] =	vst.idx.msk $0xffff, v10;
	v32 =	vclamp.gez.f32 v20, v13  }
0x57: {  	v42 =	vclamp.gez.f32 v27, v18;
	v27 =	vclamp.gez.f32 v27, v39;
	[tilespmem:v12+s10+$0x0] =	vst.idx.msk $0xffff, v28;
	v28 =	vadd.s32 $0xA, v3  }
0x58: {  	v10 =	vclamp.gez.f32 v34, v23;
	v12 =	vsub.f32 $0.0e+00, v5;
	[tilespmem:v24+s10+$0x0] =	vst.idx.msk $0xffff, v29;
	v24 =	vadd.s32 $0xB, v3  }
0x59: {  	v18 =	vclamp.gez.f32 v20, v15;
	v23 =	vadd.s32 $0xC, v3;
	v29 =	vmin.f32 v37, v30;
	[tilespmem:v36+s10+$0x0] =	vst.idx.msk $0xffff, v32  }
0x5a: {  	v30 =	vadd.s32 $0xD, v3;
	v15 =	vmin.f32 v29, v17;
	[tilespmem:v11+s10+$0x0] =	vst.idx.msk $0xffff, v18;
	v11 =	vclamp.gez.f32 v29, v16  }
0x5b: {  	v18 =	vclamp.gez.f32 v15, v31;
	[tilespmem:v22+s10+$0x0] =	vst.idx.msk $0xffff, v11;
	v11 =	vclamp.gez.f32 v29, v17;
	v22 =	vadd.s32 $0xE, v3  }
0x5c: {  	v17 =	vclamp.gez.f32 v34, v14;
	[tilespmem:v28+s10+$0x0] =	vst.idx.msk $0xffff, v11;
	v28 =	vadd.s32 $0xF, v3  }
0x5d: {  	v14 =	vmin.f32 v26, v21;
	v21 =	vadd.s32 $0x10, v3;
	[tilespmem:v24+s10+$0x0] =	vst.idx.msk $0xffff, v33  }
0x5e: {  	v11 =	vmin.f32 v14, v41;
	v24 =	vadd.s32 $0x11, v3;
	[tilespmem:v23+s10+$0x0] =	vst.idx.msk $0xffff, v35;
	v23 =	vclamp.gez.f32 v14, v8  }
0x5f: {  	v20 =	vmin.f32 v20, v13;
	v26 =	vadd.s32 $0x12, v3;
	v13 =	vclamp.gez.f32 v14, v41;
	[tilespmem:v30+s10+$0x0] =	vst.idx.msk $0xffff, v23  }
0x60: {  	[tilespmem:v22+s10+$0x0] =	vst.idx.msk $0xffff, v13;
	v22 =	vclamp.gez.f32 v20, v25;
	v25 =	vadd.s32 $0x13, v3;
	v13 =	vclamp.gez.f32 v11, v7  }
.Ltmp0:
0x61: {  	v23 =	vadd.s32 $0x14, v3;
	v20 =	vclamp.gez.f32 v20, v38;
	[tilespmem:v28+s10+$0x0] =	vst.idx.msk $0xffff, v22;
	(pc) =	sbr.rel @p0 .LBB2_3-.Ltmp0, $4  }
0x62: {  	[tilespmem:v21+s10+$0x0] =	vst.idx.msk $0xffff, v20;
	v21 =	vadd.s32 $0x15, v3  }
0x63: {  	v22 =	vmin.f32 v29, v16;
	v20 =	vadd.s32 $0x16, v3;
	[tilespmem:v24+s10+$0x0] =	vst.idx.msk $0xffff, v42  }
0x64: {  	v16 =	vadd.s32 $0x1E, v3;
	[tilespmem:v26+s10+$0x0] =	vst.idx.msk $0xffff, v27;
	v26 =	vclamp.gez.f32 v22, v19;
	v19 =	vadd.s32 $0x17, v3  }
0x65: {  	v24 =	vsub.f32 $0.0e+00, v31;
	[tilespmem:v25+s10+$0x0] =	vst.idx.msk $0xffff, v26;
	v25 =	vclamp.gez.f32 v22, v40;
	v22 =	vadd.s32 $0x18, v3  }
0x66: {  	_ =	sdelay $0x3  }
0x67: {  	[tilespmem:v23+s10+$0x0] =	vst.idx.msk $0xffff, v25  }
0x68: {  	v58 =	vadd.s32 $0x1A, v3;
	[tilespmem:v21+s10+$0x0] =	vst.idx.msk $0xffff, v18;
	v15 =	vclamp.gez.f32 v15, v24  }
0x69: {  	v59 =	vadd.s32 $0x1B, v3;
	[tilespmem:v20+s10+$0x0] =	vst.idx.msk $0xffff, v15  }
0x6a: {  	v60 =	vadd.s32 $0x1C, v3;
	v6 =	vmin.f32 v9, v6;
	[tilespmem:v19+s10+$0x0] =	vst.idx.msk $0xffff, v17  }
0x6b: {  	v3 =	vadd.s32 $0x1D, v3;
	v5 =	vclamp.gez.f32 v6, v5;
	[tilespmem:v22+s10+$0x0] =	vst.idx.msk $0xffff, v10  }
0x6c: {  	v8 =	vmin.f32 v14, v8;
	v61 =	vsub.f32 $0.0e+00, v2;
	s15 =	sshrl.u32 s15, $0x3;
	v6 =	vclamp.gez.f32 v6, v12;
	[tilespmem:v4+s10+$0x0] =	vst.idx.msk $0xffff, v5  }
0x6d: {  	v2 =	vclamp.gez.f32 v8, v2;
	s15 =	smul.u32 $0x18400, s15;
	[tilespmem:v58+s10+$0x0] =	vst.idx.msk $0xffff, v6  }
0x6e: {  	v62 =	vsub.f32 $0.0e+00, v7;
	v63 =	vclamp.gez.f32 v8, v61;
	[tilespmem:v59+s10+$0x0] =	vst.idx.msk $0xffff, v2  }
0x6f: {  	s14 =	sadd.s32 $0x1, s14;
	s15 =	sor.u32 s7, s15;
	[tilespmem:v60+s10+$0x0] =	vst.idx.msk $0xffff, v63  }
0x70: {  	p0 =	sne.s32 s14, s6;
	s15 =	sshrl.u32 s15, $0x3;
	v2 =	vclamp.gez.f32 v11, v62;
	[tilespmem:v3+s10+$0x0] =	vst.idx.msk $0xffff, v13  }
.Ltmp1:
0x71: {  	s15 =	sadd.s32 s1, s15;
	[tilespmem:v16+s10+$0x0] =	vst.idx.msk $0xffff, v2;
	(pc) =	sbr.rel @p0 .LBB2_2-.Ltmp1, $4  }
0x72: {  	[hbm4b:s15+s11] =	stream.strided.scatter [tilespmem:s10], [sflag:$0x1], $0x3080, s12, s11, $0x38;
	[tilespmem:$0xF880] =	vst v63  }
0x73: {  	_ =	swait.ge [sflag:s9], $0x3080  }
0x74: {  	[sflag:s9] =	ssyncset.done $0x0  }
0x75: {  	[sflag:s9] =	ssyncadd.s32 $0xFFFFCF80  }
0x76: {  	s13 =	sadd.s32 $0x1, s13  }
0x77: {  	p0 =	sne.s32 s13, s8  }
.Ltmp2:
0x78: {  	_ = 	snop;
	(pc) =	sbr.rel @p0 .LBB2_1-.Ltmp2, $1  }
0x79: {  	_ =	sdelay $0x3  }
0x7a: {  	_ =	sfence.sel $0x180000  }
0x7b: {  	[bflag:$0x0] =	sbarrier.arrive $0xFFFF  }
0x7c: {  	p0 =	sne.s32 s2, $0x0;
	_ =	strace $0x9000004A  }
0x7d: {  	s0 =	sadd.s32 @!p0 $0x100000, s0;
	[bflag:$0x2] =	sbarrier.arrive $0xFFFF  }
0x7e: {  	[sflag:s0] =	ssyncadd.tile.s32 @!p0 $0x1;
	_ =	shalt  }
.Lfunc_end2:
_tile_overlayer_lowered:
.L_overlay_start_2:
0x7f: {  	(tag) =	ssettag $0x2  }
0x80: {  	s0 =	rddreg [dreg:$0x0];
	s2 =	stileid.u32  }
0x81: {  	s1 =	rddreg [dreg:$0x1];
	p0 =	sne.s32 s2, $0x0  }
0x82: {  	s3 =	rddreg [dreg:$0x2];
	[bflag:$0x3] =	sbarrier.arrive $0xFFFF;
	s2 =	simm.s32 @!p0 $0x1C01  }
0x83: {  	[timem:s3], [sflag:s2] =	dma.local @!p0 [hbm:s0], s1  }
0x84: {  	s0 =	simm.s32 @!p0 $0x1  }
0x85: {  	_ =	swait.ge @!p0 [sflag:s0], s1  }
0x86: {  	s1 =	ssub.s32 @!p0 $0x0, s1;
	[sflag:s0] =	ssyncset.done @!p0 $0x0  }
0x87: {  	[sflag:s0] =	ssyncadd.s32 @!p0 s1  }
0x88: {  	[bflag:$0x3] =	sbarrier.arrive $0xFFFF  }
0x89: {  	_ =	shalt  }

// kernel: kernel.9.cloned.1.call-start
scs
__scs_entry_jumppad:
0x0: {  	(pc) =	sbr.rel $0x88, $3  }
0x1: {  	(tag) =	ssettag $0x0;
	lr =	simm.s32 $0x1  }
0x2: {  	[smem:$0x3F9F] =	sst lr;
	_ =	strace $0xD0000000  }
0x3: {  	_ = 	snop  }
0x4: {  	_ = 	snop  }
0x5: {  	_ = 	snop  }
0x6: {  	_ = 	snop  }
0x7: {  	_ = 	snop  }
__scs_overlays_trampoline_lowered:
0x8: {  	[smem:$0x3FAE] =	sst s0  }
0x9: {  	[smem:$0x3FAF] =	sst s1  }
0xa: {  	[smem:$0x3FB0] =	sst s2  }
0xb: {  	[smem:$0x3FB1] =	sst s3  }
0xc: {  	[smem:$0x3FB2] =	sst s4  }
0xd: {  	[smem:$0x3FB3] =	sst s5  }
0xe: {  	[smem:$0x3FB4] =	sst s6  }
0xf: {  	[smem:$0x3FB5] =	sst s7  }
0x10: {  	[smem:$0x3FB6] =	sst s8  }
0x11: {  	[smem:$0x3FB7] =	sst s9;
	s0 =	simm.s32 @!p0 $0x0  }
0x12: {  	s1 =	sld [smem:$0x3F9D];
	s0 =	simm.s32 @p0 $0x1  }
0x13: {  	[smem:$0x3FB8] =	sst s0;
	s0 =	simm.s32 @!p1 $0x0  }
0x14: {  	s2 =	sld [smem:$0x3F9C];
	s0 =	simm.s32 @p1 $0x1  }
0x15: {  	[smem:$0x3FB9] =	sst s0;
	s0 =	simm.s32 @!p2 $0x0  }
0x16: {  	s3 =	sld [smem:$0x3FDB];
	s0 =	simm.s32 @p2 $0x1  }
0x17: {  	s4 =	simm.s32 $0x1BF5;
	[smem:$0x3FBB] =	sst s0  }
0x18: {  	s0 =	sld [smem:$0x3F9E];
	_ =	swait.ge [sflag:s4], $0x0  }
0x19: {  	s7 =	sld [smem:$0x3F9F]  }
0x1a: {  	s8 =	sadd.s32 $0xFFFFE003, lr  }
0x1b: {  	s9 =	sadd.s32 $0xFFFFFEF7, lr;
	s5 =	simm.s32 $0xFFFFFFFF;
	p2 =	slt.u32 s8, $0xFFFFF086  }
0x1c: {  	p1 =	slt.u32 s9, $0xF7A;
	s5 =	simm.s32 @!p2 $0x0  }
0x1d: {  	s5 =	simm.s32 @p1 $0x1;
	p0 =	seq.s32 s7, s2  }
0x1e: {  	s7 =	smul.u32 @!p0 $0xF7A, s2;
	p2 =	seq.s32 @!p0 s5, $0x0  }
0x1f: {  	s9 =	smul.u32 $0xF7A, s1;
	s8 =	simm.s32 @!p0 $0x1BF5;
	p2 =	por !p2, p0  }
0x20: {  	[sflag:s8] =	ssyncset.s32 @!p0 $0xFFFFF086;
	s6 =	sadd.s32 @!p0 s3, s7;
	s7 =	simm.s32 @!p0 $0x108  }
0x21: {  	s3 =	sadd.s32 s3, s9;
	s6 =	sadd.s32 @!p0 $0x88, s6;
	s7 =	simm.s32 @p2 $0x1082  }
0x22: {  	[simem:s7], [sflag:s8] =	dma.local @!p0 [hbm:s6], $0xF7A  }
0x23: {  	s9 =	sor.u32 $0xD0000000, s2;
	s6 =	simm.s32 $0x108;
	_ =	swait.ge @!p0 [sflag:s8], $0x0  }
0x24: {  	s3 =	sadd.s32 $0x88, s3;
	s6 =	simm.s32 @!p1 $0x1082;
	[sflag:s4] =	ssyncset.s32 $0xFFFFF086  }
0x25: {  	[simem:s6], [sflag:s4] =	dma.local [hbm:s3], $0xF7A  }
0x26: {  	[smem:$0x3F9F] =	sst s1;
	(tag) =	ssettag s2;
	_ =	strace s9  }
0x27: {  	s1 =	sld [smem:$0x3FAF]  }
0x28: {  	s2 =	sld [smem:$0x3FB0]  }
0x29: {  	s4 =	sld [smem:$0x3FB2]  }
0x2a: {  	p0 =	seq.s32 s5, $0x0;
	s5 =	sld [smem:$0x3FB3]  }
0x2b: {  	s6 =	sld [smem:$0x3FB4]  }
0x2c: {  	s7 =	sld [smem:$0x3FB5]  }
0x2d: {  	s3 =	simm.s32 $0x108;
	s8 =	sld [smem:$0x3FB6]  }
0x2e: {  	s3 =	simm.s32 @!p0 $0x1082;
	s9 =	sld [smem:$0x3FB7]  }
0x2f: {  	lr =	sadd.s32 s0, s3;
	s0 =	sld [smem:$0x3FAE]  }
0x30: {  	s3 =	sld [smem:$0x3FB1]  }
0x31: {  	[smem:$0x3FBA] =	sst s10  }
0x32: {  	s10 =	sld [smem:$0x3FB8];
	_ =	sdelay $0x3  }
0x33: {  	p0 =	seq.s32 s10, $0x1;
	s10 =	sld [smem:$0x3FBA];
	_ =	sdelay $0x3  }
0x34: {  	[smem:$0x3FBA] =	sst s10  }
0x35: {  	s10 =	sld [smem:$0x3FB9];
	_ =	sdelay $0x3  }
0x36: {  	p1 =	seq.s32 s10, $0x1;
	s10 =	sld [smem:$0x3FBA];
	_ =	sdelay $0x3  }
0x37: {  	[smem:$0x3FBA] =	sst s10  }
0x38: {  	s10 =	sld [smem:$0x3FBB]  }
0x39: {  	_ = 	snop;
	(pc) =	sbr.ind lr, $3  }
0x3a: {  	_ = 	snop  }
0x3b: {  	_ = 	snop  }
0x3c: {  	p2 =	seq.s32 s10, $0x1;
	s10 =	sld [smem:$0x3FBA]  }
0x3d: {  	_ =	shalt  }
0x3e: {  	_ =	shalt  }
0x3f: {  	_ =	shalt  }
0x40: {  	_ =	shalt  }
0x41: {  	_ =	shalt  }
0x42: {  	_ =	shalt  }
0x43: {  	_ =	shalt  }
0x44: {  	_ =	shalt  }
0x45: {  	_ =	shalt  }
0x46: {  	_ =	shalt  }
0x47: {  	_ =	shalt  }
0x48: {  	_ =	shalt  }
0x49: {  	_ =	shalt  }
0x4a: {  	_ =	shalt  }
0x4b: {  	_ =	shalt  }
0x4c: {  	_ =	shalt  }
0x4d: {  	_ =	shalt  }
0x4e: {  	_ =	shalt  }
0x4f: {  	_ =	shalt  }
0x50: {  	_ =	shalt  }
0x51: {  	_ =	shalt  }
0x52: {  	_ =	shalt  }
0x53: {  	_ =	shalt  }
0x54: {  	_ =	shalt  }
0x55: {  	_ =	shalt  }
0x56: {  	_ =	shalt  }
0x57: {  	_ =	shalt  }
0x58: {  	_ =	shalt  }
0x59: {  	_ =	shalt  }
0x5a: {  	_ =	shalt  }
0x5b: {  	_ =	shalt  }
0x5c: {  	_ =	shalt  }
0x5d: {  	_ =	shalt  }
0x5e: {  	_ =	shalt  }
0x5f: {  	_ =	shalt  }
0x60: {  	_ =	shalt  }
0x61: {  	_ =	shalt  }
0x62: {  	_ =	shalt  }
0x63: {  	_ =	shalt  }
0x64: {  	_ =	shalt  }
0x65: {  	_ =	shalt  }
0x66: {  	_ =	shalt  }
0x67: {  	_ =	shalt  }
0x68: {  	_ =	shalt  }
0x69: {  	_ =	shalt  }
0x6a: {  	_ =	shalt  }
0x6b: {  	_ =	shalt  }
0x6c: {  	_ =	shalt  }
0x6d: {  	_ =	shalt  }
0x6e: {  	_ =	shalt  }
0x6f: {  	_ =	shalt  }
0x70: {  	_ =	shalt  }
0x71: {  	_ =	shalt  }
0x72: {  	_ =	shalt  }
0x73: {  	_ =	shalt  }
0x74: {  	_ =	shalt  }
0x75: {  	_ =	shalt  }
0x76: {  	_ =	shalt  }
0x77: {  	_ =	shalt  }
0x78: {  	_ =	shalt  }
0x79: {  	_ =	shalt  }
0x7a: {  	_ =	shalt  }
0x7b: {  	_ =	shalt  }
0x7c: {  	_ =	shalt  }
0x7d: {  	_ =	shalt  }
0x7e: {  	_ =	shalt  }
0x7f: {  	_ =	shalt  }
0x80: {  	_ =	shalt  }
0x81: {  	_ =	shalt  }
0x82: {  	_ =	shalt  }
0x83: {  	_ =	shalt  }
0x84: {  	_ =	shalt  }
0x85: {  	_ =	shalt  }
0x86: {  	_ =	shalt  }
0x87: {  	_ =	shalt  }
.Lfunc_end0:
.L_simem_size_0:
called_computation.1_lowered:
.L_overlay_start_0:
0x88: {  	s2 =	sld [smem:$0x3FD9]  }
0x89: {  	s3 =	sld [smem:$0x3FFE];
	_ =	sdelay $0x1  }
0x8a: {  	s1 =	srdreg.scid  }
0x8b: {  	s0 =	sand.u32 $0x1, s1  }
0x8c: {  	s16 =	sshll.u32 s0, $0xA;
	s2 =	sadd.s32 s3, s2  }
0x8d: {  	s2 =	sadd.s32 s2, s16  }
0x8e: {  	[smem:$0x3FC6] =	sst s2  }
0x8f: {  	_ = 	snop  }
0x90: {  	(tm) =	ssettm $0x1  }
0x91: {  	s17 =	sld [smem:$0x3FFB];
	_ =	sdelay $0x3  }
0x92: {  	_ =	strace s17  }
0x93: {  	s2 =	sld [smem:$0x3FFC];
	_ =	sdelay $0x3  }
0x94: {  	_ =	strace s2  }
0x95: {  	s2 =	sld [smem:$0x3FFD];
	_ =	sdelay $0x3  }
0x96: {  	_ =	strace s2  }
0x97: {  	_ =	strace $0x8FFFFFFF  }
0x98: {  	s18 =	sld [smem:$0x3FDB];
	_ =	sdelay $0x1  }
0x99: {  	s19 =	simm.s32 $_scs_section_size  }
0x9a: {  	s4 =	simm.s32 $_size__tile_overlayer_lowered;
	s5 =	simm.s32 $_tile_overlayer_lowered  }
0x9b: {  	s22 =	simm.s32 $0x1BFF;
	s21 =	sshll.u32 s5, $0x1;
	s2 =	sadd.s32 s19, s18  }
0x9c: {  	s6 =	simm.s32 $0x0;
	s20 =	sshll.u32 s4, $0x1;
	s4 =	sadd.s32 s21, s2  }
0x9d: {  	[timem:s6], [sflag:s22] =	dma.local [hbm:s4], s20  }
0x9e: {  	_ =	swait.ge [sflag:s22], s20  }
0x9f: {  	s3 =	ssub.s32 $0x0, s20;
	[sflag:s22] =	ssyncset.done $0x0  }
0xa0: {  	[sflag:s22] =	ssyncadd.s32 s3;
	_ =	sdelay $0x1  }
0xa1: {  	s23 =	simm.s32 $0x1B8B  }
0xa2: {  	_ =	swait.ge [sflag:s23], $0x1  }
0xa3: {  	[sflag:s23] =	ssyncset.done $0x0  }
0xa4: {  	s25 =	simm.s32 $0x1B8E;
	s24 =	sld [smem:$0x3FFE];
	[sflag:s23] =	ssyncadd.s32 $0xFFFFFFFF  }
0xa5: {  	s26 =	simm.s32 $execute0_lowered;
	[smem:$0x3FD2] =	sst s25  }
0xa6: {  	s4 =	sshll.u32 s26, $0x1;
	_ =	strace $0x80000046;
	[dreg:$0x1] =	wrdreg $0xFFFFFFFF  }
0xa7: {  	s28 =	simm.s32 $_size_execute0_lowered;
	s2 =	sadd.s32 s2, s4;
	[dreg:$0x0] =	wrdreg $0x0  }
0xa8: {  	s4 =	sshll.u32 s28, $0x1;
	[dreg:$0x2] =	wrdreg s2  }
0xa9: {  	[dreg:$0x3] =	wrdreg s4  }
0xaa: {  	[dreg:$0x4] =	wrdreg $0xC0  }
0xab: {  	_ =	task [dreg:s6], $0x5FFFF  }
0xac: {  	[dreg:$0x1] =	wrdreg $0xFFFFFFFF  }
0xad: {  	[dreg:$0x0] =	wrdreg $0x60  }
0xae: {  	[dreg:$0x2] =	wrdreg s24  }
0xaf: {  	[dreg:$0x3] =	wrdreg $0xA  }
0xb0: {  	_ =	task.clear_ibuf [dreg:s6], $0x4FFFF;
	_ =	strace $0x90000046  }
0xb1: {  	s29 =	simm.s32 $0xA;
	_ =	strace $0x80000048  }
0xb2: {  	_ =	swait.ge [sflag:s29], $0x1  }
0xb3: {  	[sflag:s29] =	ssyncadd.s32 $0xFFFFFFFF  }
0xb4: {  	_ =	strace $0x90000048  }
0xb5: {  	_ =	sfence  }
0xb6: {  	s30 =	sld [smem:$0x0];
	_ =	sdelay $0x2  }
0xb7: {  	s31 =	sshll.u32 s1, $0xD;
	s1 =	sshrl.u32 s1, $0x2  }
0xb8: {  	s3 =	sand.u32 $0x4000, s31;
	s1 =	sadd.s32 s1, s30  }
0xb9: {  	s0 =	sor.u32 s3, s0;
	s1 =	sshll.u32 s1, $0x11  }
0xba: {  	s0 =	sor.u32 s1, s0  }
0xbb: {  	s0 =	sadd.s32 $0x8F2B, s0  }
0xbc: {  	[sflag:s0] =	ssyncadd.remote.s32 $0x1  }
0xbd: {  	_ =	sfence.sel $0xFFFF  }
0xbe: {  	[dreg:$0x0] =	wrdreg $0xFFFFFFFF;
	(pc) =	sbr.abs _section_cstart, $3  }
0xbf: {  	[dreg:$0x1] =	wrdreg $0xFFFFFFFF  }
0xc0: {  	_ =	task.clear_ibuf [dreg:s6], $0x2FFFF;
	_ =	strace $0x9FFFFFFF  }
0xc1: {  	(tm) =	ssettm $0x7FFFFFFF  }
tec
execute0_lowered:
.L_overlay_start_1:
0x0: {  	(tag) =	ssettag $0x1  }
0x1: {  	s4 =	rddreg [dreg:$0x0]  }
0x2: {  	s0 =	rddreg [dreg:$0x1];
	s2 =	simm.s32 $0x0;
	s5 =	srdreg.scid  }
0x3: {  	s1 =	stileid.u32;
	s11 =	simm.s32 $0x80;
	s12 =	simm.s32 $0x400  }
0x4: {  	s13 =	simm.s32 $0x0;
	[smem:$0x7FF] =	sst s2;
	s3 =	sadd.s32 $0x800, s4  }
0x5: {  	s5 =	sand.u32 $0x1, s5;
	s6 =	sshll.u32 s1, $0x1;
	s4 =	sadd.s32 $0xC3E00, s4  }
0x6: {  	_ =	strace $0x80000047;
	s7 =	ssub.s32 $0x2, s5;
	s5 =	sor.u32 s5, s6  }
0x7: {  	s31 =	sshrl.u32 s7, $0x1;
	s8 =	ssub.s32 $0x9C, s5;
	s9 =	sshll.u32 s5, $0x7  }
0x8: {  	s10 =	ssub.s32 s7, s31;
	s6 =	sshrl.u32 s8, $0x5;
	s7 =	sand.u32 $0x380, s9  }
0x9: {  	v0 =	vlaneseq.u32;
	v1 =	vimm.f32 $1.000000000e+00;
	s9 =	simm.s32 $0x1;
	s8 =	smax.u32 s10, $0x1;
	s10 =	simm.s32 $0xC800  }
.LBB2_1:
0xa: {  	s14 =	simm.s32 $0x0  }
.LBB2_2:
0xb: {  	s15 =	sshll.u32 s14, $0x5  }
0xc: {  	s15 =	sor.u32 s5, s15  }
0xd: {  	s17 =	simm.s32 $0x0;
	s16 =	smul.u32 $0xC800, s15  }
0xe: {  	v3 =	vor.u32 s17, v0  }
0xf: {  	v4 =	vshll.u32 v3, $0x7;
	s16 =	sshrl.u32 s16, $0x3  }
0x10: {  	v2 =	vor.u32 $0x3, v4;
	s16 =	sadd.s32 s3, s16  }
0x11: {  	[tilespmem:s17], [sflag:$0x1] =	stream.linear.gather [hbm4b:s16+s17], $0xC800, $0x38;
	[tilespmem:$0xF880] =	vst v63  }
0x12: {  	v5 =	vor.u32 $0x2, v4;
	_ =	swait.ge [sflag:s9], $0xC800  }
0x13: {  	v6 =	vor.u32 $0x5, v4;
	[sflag:s9] =	ssyncset.done $0x0  }
0x14: {  	v7 =	vor.u32 $0xD, v4;
	[sflag:s9] =	ssyncadd.s32 $0xFFFF3800  }
0x15: {  	v8 =	vor.u32 $0x1, v4;
	v11 =	vld.idx.msk [tilespmem:v2+s2+$0x0], $0xffff  }
0x16: {  	v9 =	vor.u32 $0xB, v4;
	v10 =	vld.idx.msk [tilespmem:v4+s2+$0x0], $0xffff  }
0x17: {  	v12 =	vor.u32 $0x4, v4;
	v13 =	vld.idx.msk [tilespmem:v5+s2+$0x0], $0xffff  }
0x18: {  	v5 =	vor.u32 $0xC, v4;
	v14 =	vld.idx.msk [tilespmem:v6+s2+$0x0], $0xffff  }
0x19: {  	v6 =	vor.u32 $0x7, v4;
	v2 =	vld.idx.msk [tilespmem:v7+s2+$0x0], $0xffff  }
0x1a: {  	v7 =	vor.u32 $0x8, v4;
	v15 =	vld.idx.msk [tilespmem:v8+s2+$0x0], $0xffff  }
0x1b: {  	v8 =	vor.u32 $0x9, v4;
	v16 =	vld.idx.msk [tilespmem:v9+s2+$0x0], $0xffff  }
0x1c: {  	v3 =	vmul.u32 $0x1F, v3;
	v9 =	vor.u32 $0xA, v4;
	v19 =	vld.idx.msk [tilespmem:v12+s2+$0x0], $0xffff  }
0x1d: {  	v17 =	vor.u32 $0xE, v4;
	v12 =	vor.u32 $0x6, v4;
	v5 =	vld.idx.msk [tilespmem:v5+s2+$0x0], $0xffff  }
0x1e: {  	v22 =	vadd.s32 $0x1, v3;
	v24 =	vadd.s32 $0x6, v3;
	v27 =	vadd.s32 $0x3, v3;
	v20 =	vld.idx.msk [tilespmem:v6+s2+$0x0], $0xffff  }
0x1f: {  	v29 =	vadd.s32 $0x2, v3;
	v33 =	vadd.s32 $0x5, v3;
	v18 =	vsub.f32 $0.0e+00, v10;
	v23 =	vld.idx.msk [tilespmem:v7+s2+$0x0], $0xffff  }
0x20: {  	v37 =	vadd.s32 $0x9, v3;
	v62 =	vadd.s32 $0xE, v3;
	v4 =	vadd.s32 $0x19, v3;
	v26 =	vld.idx.msk [tilespmem:v8+s2+$0x0], $0xffff  }
0x21: {  	v21 =	vsub.f32 $0.0e+00, v13;
	v6 =	vsub.f32 $0.0e+00, v14;
	v28 =	vld.idx.msk [tilespmem:v9+s2+$0x0], $0xffff;
	v25 =	vmin.f32 v18, $1.000000000e+00  }
0x22: {  	v8 =	vld.idx.msk [tilespmem:v12+s2+$0x0], $0xffff;
	v30 =	vclamp.gez.f32 v25, v13;
	v9 =	vmin.f32 v25, v13;
	v13 =	vadd.s32 $0x4, v3  }
0x23: {  	v12 =	vsub.f32 $0.0e+00, v15;
	v7 =	vld.idx.msk [tilespmem:v17+s2+$0x0], $0xffff;
	[tilespmem:v3+s10+$0x0] =	vst.idx.msk $0xffff, v1;
	v34 =	vclamp.gez.f32 v10, $1.000000000e+00;
	v10 =	vmin.f32 v10, $1.000000000e+00  }
0x24: {  	[tilespmem:v22+s10+$0x0] =	vst.idx.msk $0xffff, v34;
	v32 =	vclamp.gez.f32 v9, v14;
	v35 =	vmin.f32 v9, v14;
	v14 =	vclamp.gez.f32 v18, $1.000000000e+00  }
0x25: {  	v17 =	vsub.f32 $0.0e+00, v19;
	v22 =	vadd.s32 $0x7, v3;
	[tilespmem:v29+s10+$0x0] =	vst.idx.msk $0xffff, v14;
	v14 =	vclamp.gez.f32 v10, v15  }
0x26: {  	v38 =	vmin.f32 v10, v15;
	[tilespmem:v27+s10+$0x0] =	vst.idx.msk $0xffff, v14;
	v14 =	vclamp.gez.f32 v10, v12;
	v27 =	vadd.s32 $0x8, v3  }
0x27: {  	v58 =	vsub.f32 $0.0e+00, v16;
	v61 =	vmin.f32 v10, v12;
	v31 =	vclamp.gez.f32 v25, v21;
	[tilespmem:v13+s10+$0x0] =	vst.idx.msk $0xffff, v14  }
0x28: {  	v18 =	vclamp.gez.f32 v9, v6;
	v13 =	vsub.f32 $0.0e+00, v11;
	v14 =	vadd.s32 $0xA, v3;
	[tilespmem:v33+s10+$0x0] =	vst.idx.msk $0xffff, v30  }
0x29: {  	v59 =	vsub.f32 $0.0e+00, v20;
	v15 =	vclamp.gez.f32 v38, v11;
	[tilespmem:v24+s10+$0x0] =	vst.idx.msk $0xffff, v31;
	v24 =	vadd.s32 $0xB, v3  }
0x2a: {  	v36 =	vsub.f32 $0.0e+00, v23;
	v12 =	vadd.s32 $0xC, v3;
	v10 =	vclamp.gez.f32 v38, v13;
	[tilespmem:v22+s10+$0x0] =	vst.idx.msk $0xffff, v15  }
0x2b: {  	v13 =	vmin.f32 v38, v13;
	v22 =	vadd.s32 $0xD, v3;
	[tilespmem:v27+s10+$0x0] =	vst.idx.msk $0xffff, v10;
	v10 =	vclamp.gez.f32 v61, v19  }
0x2c: {  	v60 =	vsub.f32 $0.0e+00, v26;
	v63 =	vclamp.gez.f32 v13, v23;
	[tilespmem:v37+s10+$0x0] =	vst.idx.msk $0xffff, v10;
	v10 =	vclamp.gez.f32 v61, v17  }
0x2d: {  	v36 =	vclamp.gez.f32 v13, v36;
	v13 =	vadd.s32 $0xF, v3;
	v15 =	vmin.f32 v61, v17;
	[tilespmem:v14+s10+$0x0] =	vst.idx.msk $0xffff, v10  }
0x2e: {  	v27 =	vsub.f32 $0.0e+00, v8;
	v14 =	vmin.f32 v25, v21;
	v21 =	vadd.s32 $0x10, v3;
	[tilespmem:v24+s10+$0x0] =	vst.idx.msk $0xffff, v32  }
0x2f: {  	v23 =	vadd.s32 $0x14, v3;
	v24 =	vadd.s32 $0x11, v3;
	[tilespmem:v12+s10+$0x0] =	vst.idx.msk $0xffff, v18;
	v12 =	vclamp.gez.f32 v14, v8  }
0x30: {  	v17 =	vmin.f32 v38, v11;
	v11 =	vclamp.gez.f32 v14, v27;
	[tilespmem:v22+s10+$0x0] =	vst.idx.msk $0xffff, v12;
	v22 =	vadd.s32 $0x12, v3  }
0x31: {  	v10 =	vclamp.gez.f32 v35, v58;
	v20 =	vclamp.gez.f32 v17, v20;
	v25 =	vadd.s32 $0x13, v3;
	[tilespmem:v62+s10+$0x0] =	vst.idx.msk $0xffff, v11  }
0x32: {  	v18 =	vclamp.gez.f32 v15, v28;
	v12 =	vsub.f32 $0.0e+00, v5;
	[tilespmem:v13+s10+$0x0] =	vst.idx.msk $0xffff, v20;
	v20 =	vclamp.gez.f32 v17, v59  }
0x33: {  	v11 =	vmin.f32 v14, v27;
	v27 =	vmin.f32 v61, v19;
	[tilespmem:v21+s10+$0x0] =	vst.idx.msk $0xffff, v20;
	v21 =	vadd.s32 $0x15, v3  }
0x34: {  	v19 =	vadd.s32 $0x17, v3;
	v17 =	vclamp.gez.f32 v35, v16;
	v20 =	vadd.s32 $0x16, v3;
	[tilespmem:v24+s10+$0x0] =	vst.idx.msk $0xffff, v63  }
0x35: {  	v13 =	vclamp.gez.f32 v11, v7;
	v16 =	vadd.s32 $0x1E, v3;
	[tilespmem:v22+s10+$0x0] =	vst.idx.msk $0xffff, v36;
	v22 =	vclamp.gez.f32 v27, v26  }
0x36: {  	s16 =	simm.s32 $0x10;
	v24 =	vsub.f32 $0.0e+00, v28;
	[tilespmem:v25+s10+$0x0] =	vst.idx.msk $0xffff, v22;
	v25 =	vclamp.gez.f32 v27, v60;
	v22 =	vadd.s32 $0x18, v3  }
.LBB2_3:
0x37: {  	p0 =	sne.s32 s16, $0x180;
	[tilespmem:v23+s10+$0x0] =	vst.idx.msk $0xffff, v25;
	v23 =	vadd.s32 $0x1B, v3;
	v25 =	vadd.s32 $0x1C, v3;
	v26 =	vadd.s32 $0x1D, v3;
	s17 =	smov.u32 s16;
	s16 =	sadd.s32 $0x10, s16  }
0x38: {  	v6 =	vmin.f32 v9, v6;
	v3 =	vadd.s32 $0x1A, v3;
	[tilespmem:v21+s10+$0x0] =	vst.idx.msk $0xffff, v18;
	v9 =	vclamp.gez.f32 v15, v24  }
0x39: {  	v8 =	vmin.f32 v14, v8;
	v14 =	vsub.f32 $0.0e+00, v2;
	v5 =	vclamp.gez.f32 v6, v5;
	[tilespmem:v20+s10+$0x0] =	vst.idx.msk $0xffff, v9  }
0x3a: {  	v7 =	vsub.f32 $0.0e+00, v7;
	v6 =	vclamp.gez.f32 v6, v12;
	v9 =	vor.u32 s17, v0;
	[tilespmem:v19+s10+$0x0] =	vst.idx.msk $0xffff, v17  }
0x3b: {  	v2 =	vclamp.gez.f32 v8, v2;
	v8 =	vclamp.gez.f32 v8, v14;
	v12 =	vshll.u32 v9, $0x7;
	[tilespmem:v22+s10+$0x0] =	vst.idx.msk $0xffff, v10  }
0x3c: {  	v10 =	vor.u32 $0x1, v12;
	v14 =	vor.u32 $0x2, v12;
	v15 =	vor.u32 $0x3, v12;
	[tilespmem:v4+s10+$0x0] =	vst.idx.msk $0xffff, v5  }
0x3d: {  	v17 =	vor.u32 $0x6, v12;
	v4 =	vor.u32 $0x4, v12;
	v5 =	vor.u32 $0x5, v12;
	[tilespmem:v3+s10+$0x0] =	vst.idx.msk $0xffff, v6  }
0x3e: {  	v18 =	vor.u32 $0x8, v12;
	v19 =	vor.u32 $0x9, v12;
	v6 =	vor.u32 $0x7, v12;
	[tilespmem:v23+s10+$0x0] =	vst.idx.msk $0xffff, v2  }
0x3f: {  	v20 =	vor.u32 $0xA, v12;
	v21 =	vor.u32 $0xB, v12;
	v22 =	vor.u32 $0xC, v12;
	[tilespmem:v25+s10+$0x0] =	vst.idx.msk $0xffff, v8  }
0x40: {  	v3 =	vclamp.gez.f32 v11, v7;
	v2 =	vor.u32 $0xD, v12;
	v23 =	vor.u32 $0xE, v12;
	[tilespmem:v26+s10+$0x0] =	vst.idx.msk $0xffff, v13  }
0x41: {  	[tilespmem:v16+s10+$0x0] =	vst.idx.msk $0xffff, v3  }
0x42: {  	v13 =	vld.idx.msk [tilespmem:v15+s2+$0x0], $0xffff  }
0x43: {  	v11 =	vld.idx.msk [tilespmem:v12+s2+$0x0], $0xffff  }
0x44: {  	v7 =	vld.idx.msk [tilespmem:v14+s2+$0x0], $0xffff  }
0x45: {  	v12 =	vld.idx.msk [tilespmem:v5+s2+$0x0], $0xffff  }
0x46: {  	v2 =	vld.idx.msk [tilespmem:v2+s2+$0x0], $0xffff  }
0x47: {  	v10 =	vld.idx.msk [tilespmem:v10+s2+$0x0], $0xffff  }
0x48: {  	v3 =	vmul.u32 $0x1F, v9;
	v14 =	vld.idx.msk [tilespmem:v21+s2+$0x0], $0xffff  }
0x49: {  	v15 =	vsub.f32 $0.0e+00, v11;
	v16 =	vld.idx.msk [tilespmem:v4+s2+$0x0], $0xffff  }
0x4a: {  	v24 =	vadd.s32 $0x6, v3;
	v21 =	vsub.f32 $0.0e+00, v7;
	v5 =	vld.idx.msk [tilespmem:v22+s2+$0x0], $0xffff;
	v22 =	vadd.s32 $0x1, v3  }
0x4b: {  	v4 =	vadd.s32 $0x19, v3;
	v26 =	vmin.f32 v15, $1.000000000e+00;
	v25 =	vld.idx.msk [tilespmem:v6+s2+$0x0], $0xffff;
	v6 =	vsub.f32 $0.0e+00, v12  }
0x4c: {  	v27 =	vadd.s32 $0x3, v3;
	v28 =	vclamp.gez.f32 v26, v7;
	v29 =	vclamp.gez.f32 v26, v21;
	v18 =	vld.idx.msk [tilespmem:v18+s2+$0x0], $0xffff  }
0x4d: {  	v9 =	vmin.f32 v26, v7;
	v30 =	vsub.f32 $0.0e+00, v10;
	v19 =	vld.idx.msk [tilespmem:v19+s2+$0x0], $0xffff  }
0x4e: {  	v32 =	vadd.s32 $0x4, v3;
	v33 =	vclamp.gez.f32 v9, v12;
	v31 =	vld.idx.msk [tilespmem:v20+s2+$0x0], $0xffff;
	v20 =	vadd.s32 $0x2, v3  }
0x4f: {  	v34 =	vmin.f32 v9, v12;
	v35 =	vclamp.gez.f32 v9, v6;
	v8 =	vld.idx.msk [tilespmem:v17+s2+$0x0], $0xffff;
	v17 =	vsub.f32 $0.0e+00, v16  }
0x50: {  	v36 =	vadd.s32 $0x7, v3;
	v12 =	vadd.s32 $0x5, v3;
	v7 =	vld.idx.msk [tilespmem:v23+s2+$0x0], $0xffff;
	v23 =	vsub.f32 $0.0e+00, v14  }
0x51: {  	v37 =	vmin.f32 v11, $1.000000000e+00;
	v11 =	vclamp.gez.f32 v11, $1.000000000e+00;
	v38 =	vsub.f32 $0.0e+00, v25;
	[tilespmem:v3+s10+$0x0] =	vst.idx.msk $0xffff, v1  }
0x52: {  	v39 =	vsub.f32 $0.0e+00, v18;
	[tilespmem:v22+s10+$0x0] =	vst.idx.msk $0xffff, v11;
	v11 =	vclamp.gez.f32 v15, $1.000000000e+00;
	v22 =	vadd.s32 $0x9, v3  }
0x53: {  	v15 =	vsub.f32 $0.0e+00, v13;
	v40 =	vsub.f32 $0.0e+00, v19;
	[tilespmem:v20+s10+$0x0] =	vst.idx.msk $0xffff, v11;
	v11 =	vclamp.gez.f32 v37, v10  }
0x54: {  	v20 =	vmin.f32 v37, v10;
	v10 =	vclamp.gez.f32 v37, v30;
	[tilespmem:v27+s10+$0x0] =	vst.idx.msk $0xffff, v11;
	v11 =	vadd.s32 $0x8, v3  }
0x55: {  	v27 =	vmin.f32 v20, v15;
	v41 =	vsub.f32 $0.0e+00, v8;
	[tilespmem:v32+s10+$0x0] =	vst.idx.msk $0xffff, v10;
	v32 =	vclamp.gez.f32 v20, v13  }
0x56: {  	v42 =	vclamp.gez.f32 v27, v18;
	v27 =	vclamp.gez.f32 v27, v39;
	[tilespmem:v12+s10+$0x0] =	vst.idx.msk $0xffff, v28;
	v28 =	vadd.s32 $0xA, v3  }
0x57: {  	v10 =	vclamp.gez.f32 v34, v23;
	v12 =	vsub.f32 $0.0e+00, v5;
	[tilespmem:v24+s10+$0x0] =	vst.idx.msk $0xffff, v29;
	v24 =	vadd.s32 $0xB, v3  }
0x58: {  	v18 =	vclamp.gez.f32 v20, v15;
	v23 =	vadd.s32 $0xC, v3;
	v29 =	vmin.f32 v37, v30;
	[tilespmem:v36+s10+$0x0] =	vst.idx.msk $0xffff, v32  }
0x59: {  	v30 =	vadd.s32 $0xD, v3;
	v15 =	vmin.f32 v29, v17;
	[tilespmem:v11+s10+$0x0] =	vst.idx.msk $0xffff, v18;
	v11 =	vclamp.gez.f32 v29, v16  }
0x5a: {  	v18 =	vclamp.gez.f32 v15, v31;
	[tilespmem:v22+s10+$0x0] =	vst.idx.msk $0xffff, v11;
	v11 =	vclamp.gez.f32 v29, v17;
	v22 =	vadd.s32 $0xE, v3  }
0x5b: {  	v17 =	vclamp.gez.f32 v34, v14;
	[tilespmem:v28+s10+$0x0] =	vst.idx.msk $0xffff, v11;
	v28 =	vadd.s32 $0xF, v3  }
0x5c: {  	v14 =	vmin.f32 v26, v21;
	v21 =	vadd.s32 $0x10, v3;
	[tilespmem:v24+s10+$0x0] =	vst.idx.msk $0xffff, v33  }
0x5d: {  	v11 =	vmin.f32 v14, v41;
	v24 =	vadd.s32 $0x11, v3;
	[tilespmem:v23+s10+$0x0] =	vst.idx.msk $0xffff, v35;
	v23 =	vclamp.gez.f32 v14, v8  }
0x5e: {  	v20 =	vmin.f32 v20, v13;
	v26 =	vadd.s32 $0x12, v3;
	v13 =	vclamp.gez.f32 v14, v41;
	[tilespmem:v30+s10+$0x0] =	vst.idx.msk $0xffff, v23  }
0x5f: {  	[tilespmem:v22+s10+$0x0] =	vst.idx.msk $0xffff, v13;
	v22 =	vclamp.gez.f32 v20, v25;
	v25 =	vadd.s32 $0x13, v3;
	v13 =	vclamp.gez.f32 v11, v7  }
.Ltmp0:
0x60: {  	v23 =	vadd.s32 $0x14, v3;
	v20 =	vclamp.gez.f32 v20, v38;
	[tilespmem:v28+s10+$0x0] =	vst.idx.msk $0xffff, v22;
	(pc) =	sbr.rel @p0 .LBB2_3-.Ltmp0, $4  }
0x61: {  	[tilespmem:v21+s10+$0x0] =	vst.idx.msk $0xffff, v20;
	v21 =	vadd.s32 $0x15, v3  }
0x62: {  	v22 =	vmin.f32 v29, v16;
	v20 =	vadd.s32 $0x16, v3;
	[tilespmem:v24+s10+$0x0] =	vst.idx.msk $0xffff, v42  }
0x63: {  	v16 =	vadd.s32 $0x1E, v3;
	[tilespmem:v26+s10+$0x0] =	vst.idx.msk $0xffff, v27;
	v26 =	vclamp.gez.f32 v22, v19;
	v19 =	vadd.s32 $0x17, v3  }
0x64: {  	v24 =	vsub.f32 $0.0e+00, v31;
	[tilespmem:v25+s10+$0x0] =	vst.idx.msk $0xffff, v26;
	v25 =	vclamp.gez.f32 v22, v40;
	v22 =	vadd.s32 $0x18, v3  }
0x65: {  	_ =	sdelay $0x3  }
0x66: {  	[tilespmem:v23+s10+$0x0] =	vst.idx.msk $0xffff, v25  }
0x67: {  	v58 =	vadd.s32 $0x1A, v3;
	[tilespmem:v21+s10+$0x0] =	vst.idx.msk $0xffff, v18;
	v15 =	vclamp.gez.f32 v15, v24  }
0x68: {  	v59 =	vadd.s32 $0x1B, v3;
	[tilespmem:v20+s10+$0x0] =	vst.idx.msk $0xffff, v15  }
0x69: {  	v60 =	vadd.s32 $0x1C, v3;
	v6 =	vmin.f32 v9, v6;
	[tilespmem:v19+s10+$0x0] =	vst.idx.msk $0xffff, v17  }
0x6a: {  	v3 =	vadd.s32 $0x1D, v3;
	v5 =	vclamp.gez.f32 v6, v5;
	[tilespmem:v22+s10+$0x0] =	vst.idx.msk $0xffff, v10  }
0x6b: {  	v8 =	vmin.f32 v14, v8;
	v61 =	vsub.f32 $0.0e+00, v2;
	s15 =	sshrl.u32 s15, $0x3;
	v6 =	vclamp.gez.f32 v6, v12;
	[tilespmem:v4+s10+$0x0] =	vst.idx.msk $0xffff, v5  }
0x6c: {  	v2 =	vclamp.gez.f32 v8, v2;
	s15 =	smul.u32 $0x18400, s15;
	[tilespmem:v58+s10+$0x0] =	vst.idx.msk $0xffff, v6  }
0x6d: {  	v62 =	vsub.f32 $0.0e+00, v7;
	v63 =	vclamp.gez.f32 v8, v61;
	[tilespmem:v59+s10+$0x0] =	vst.idx.msk $0xffff, v2  }
0x6e: {  	s14 =	sadd.s32 $0x1, s14;
	s15 =	sor.u32 s7, s15;
	[tilespmem:v60+s10+$0x0] =	vst.idx.msk $0xffff, v63  }
0x6f: {  	p0 =	sne.s32 s14, s6;
	s15 =	sshrl.u32 s15, $0x3;
	v2 =	vclamp.gez.f32 v11, v62;
	[tilespmem:v3+s10+$0x0] =	vst.idx.msk $0xffff, v13  }
.Ltmp1:
0x70: {  	s15 =	sadd.s32 s4, s15;
	[tilespmem:v16+s10+$0x0] =	vst.idx.msk $0xffff, v2;
	(pc) =	sbr.rel @p0 .LBB2_2-.Ltmp1, $4  }
0x71: {  	[hbm4b:s15+s11] =	stream.strided.scatter [tilespmem:s10], [sflag:$0x1], $0x3080, s12, s11, $0x38;
	[tilespmem:$0xF880] =	vst v63  }
0x72: {  	_ =	swait.ge [sflag:s9], $0x3080  }
0x73: {  	[sflag:s9] =	ssyncset.done $0x0  }
0x74: {  	[sflag:s9] =	ssyncadd.s32 $0xFFFFCF80  }
0x75: {  	s13 =	sadd.s32 $0x1, s13  }
0x76: {  	p0 =	sne.s32 s13, s8  }
.Ltmp2:
0x77: {  	_ = 	snop;
	(pc) =	sbr.rel @p0 .LBB2_1-.Ltmp2, $1  }
0x78: {  	_ =	sdelay $0x3  }
0x79: {  	_ =	sfence.sel $0x180000  }
0x7a: {  	[bflag:$0x0] =	sbarrier.arrive $0xFFFF  }
0x7b: {  	p0 =	sne.s32 s1, $0x0;
	_ =	strace $0x90000047  }
0x7c: {  	s0 =	sadd.s32 @!p0 $0x100000, s0;
	[bflag:$0x2] =	sbarrier.arrive $0xFFFF  }
0x7d: {  	[sflag:s0] =	ssyncadd.tile.s32 @!p0 $0x1;
	_ =	shalt  }
.Lfunc_end2:
_tile_overlayer_lowered:
.L_overlay_start_2:
0x7e: {  	(tag) =	ssettag $0x2  }
0x7f: {  	s0 =	rddreg [dreg:$0x0];
	s2 =	stileid.u32  }
0x80: {  	s1 =	rddreg [dreg:$0x1];
	p0 =	sne.s32 s2, $0x0  }
0x81: {  	s3 =	rddreg [dreg:$0x2];
	[bflag:$0x3] =	sbarrier.arrive $0xFFFF;
	s2 =	simm.s32 @!p0 $0x1C01  }
0x82: {  	[timem:s3], [sflag:s2] =	dma.local @!p0 [hbm:s0], s1  }
0x83: {  	s0 =	simm.s32 @!p0 $0x1  }
0x84: {  	_ =	swait.ge @!p0 [sflag:s0], s1  }
0x85: {  	s1 =	ssub.s32 @!p0 $0x0, s1;
	[sflag:s0] =	ssyncset.done @!p0 $0x0  }
0x86: {  	[sflag:s0] =	ssyncadd.s32 @!p0 s1  }
0x87: {  	[bflag:$0x3] =	sbarrier.arrive $0xFFFF  }
0x88: {  	_ =	shalt  }

</sc_bundles>
